<compile_context>
chip_gen: v7x
topology: tpu7x:2x2x1
jax: 0.10.2.dev20260603
libtpu: 0.0.44.dev20260713+nightly
codegen_flags: <defaults>
</compile_context>

<pallas_src>
import jax
import jax.numpy as jnp
from jax import lax
from jax.experimental import pallas as pl
from jax.experimental.pallas import tpu as pltpu
from jax.experimental.pallas import tpu_sc as plsc

N_NODES = 10000
N_EDGES = 320000
D_FEAT = 128
H = D_FEAT // 2
NC = 2
NS = 16
EPT = N_EDGES // NS
CHUNK = 128
NCHUNK = 158
HCHUNK = NCHUNK // 2
EPT_PAD = NCHUNK * CHUNK
N_PAD = 10008
TRASH = N_NODES
RPT = 624
TAIL = N_NODES - NS * RPT
IB = 104
NB = 3


def _gin_body(feat, srcp, dstp, eps16, out, table, acc, src_v, dst_v, rows,
              eps_v, sem_g, sem_s, sem_i, sem_t):
    c = lax.axis_index("c")
    s = lax.axis_index("s")

    tbl = pltpu.async_copy(feat.at[pl.ds(s * RPT, RPT), pl.ds(c * H, H)],
                           table.at[pl.ds(s * RPT, RPT)], sem_t)
    idx_src = pltpu.async_copy(srcp.at[s, pl.ds(0, HCHUNK)], src_v, sem_i)
    idx_dst = pltpu.async_copy(dstp.at[s, pl.ds(0, HCHUNK)], dst_v, sem_i)

    pltpu.sync_copy(eps16, eps_v)
    scale = eps_v[...] + 1.0

    @pl.when(s == NS - 1)
    def _():
        pltpu.sync_copy(feat.at[pl.ds(NS * RPT, TAIL), pl.ds(c * H, H)],
                        table.at[pl.ds(NS * RPT, TAIL)])

    tbl.wait()

    def init_range(r0, nrows):
        pltpu.sync_copy(table.at[pl.ds(r0, nrows)],
                        rows.at[NB - 1, pl.ds(0, nrows)])

        def row_scale(r, carry):
            for j in range(H // 16):
                rows[NB - 1, r, pl.ds(j * 16, 16)] = (
                    rows[NB - 1, r, pl.ds(j * 16, 16)] * scale)
            return carry

        lax.fori_loop(0, nrows, row_scale, 0)
        pltpu.sync_copy(rows.at[NB - 1, pl.ds(0, nrows)],
                        acc.at[pl.ds(r0, nrows)])

    for p in range(RPT // IB):
        init_range(s * RPT + p * IB, IB)

    @pl.when(s == NS - 1)
    def _():
        init_range(NS * RPT, TAIL)

    plsc.subcore_barrier()
    idx_src.wait()
    idx_dst.wait()

    def run_half():
        pltpu.async_copy(table.at[src_v.at[0]], rows.at[0], sem_g.at[0])

        def chunk_body(k, carry):
            b = lax.rem(k, NB)
            fb = lax.rem(k + 1, NB)

            @pl.when(k >= 2)
            def _():
                pltpu.make_async_copy(rows.at[fb], acc.at[dst_v.at[k - 2]],
                                      sem_s.at[fb]).wait()

            @pl.when(k + 1 < HCHUNK)
            def _():
                pltpu.async_copy(table.at[src_v.at[k + 1]], rows.at[fb],
                                 sem_g.at[fb])

            pltpu.make_async_copy(table.at[src_v.at[k]], rows.at[b],
                                  sem_g.at[b]).wait()
            pltpu.async_copy(rows.at[b], acc.at[dst_v.at[k]], sem_s.at[b],
                             add=True)
            return carry

        lax.fori_loop(0, HCHUNK, chunk_body, 0)
        for j in (HCHUNK - 2, HCHUNK - 1):
            pltpu.make_async_copy(rows.at[j % NB], acc.at[dst_v.at[j]],
                                  sem_s.at[j % NB]).wait()

    run_half()
    pltpu.sync_copy(srcp.at[s, pl.ds(HCHUNK, HCHUNK)], src_v)
    pltpu.sync_copy(dstp.at[s, pl.ds(HCHUNK, HCHUNK)], dst_v)
    run_half()
    plsc.subcore_barrier()

    pltpu.sync_copy(acc.at[pl.ds(s * RPT, RPT)],
                    out.at[pl.ds(s * RPT, RPT), pl.ds(c * H, H)])

    @pl.when(s == NS - 1)
    def _():
        pltpu.sync_copy(acc.at[pl.ds(NS * RPT, TAIL)],
                        out.at[pl.ds(NS * RPT, TAIL), pl.ds(c * H, H)])


@jax.jit
def kernel(feat, edge_index, eps):
    src = edge_index[0]
    dst = edge_index[1]

    pad = EPT_PAD - EPT
    srcp = jnp.pad(src.reshape(NS, EPT), ((0, 0), (0, pad)))
    srcp = srcp.reshape(NS, NCHUNK, CHUNK)
    dstp = jnp.pad(dst.reshape(NS, EPT), ((0, 0), (0, pad)),
                   constant_values=TRASH).reshape(NS, NCHUNK, CHUNK)

    eps16 = jnp.broadcast_to(eps, (16,))

    mesh = plsc.VectorSubcoreMesh(core_axis_name="c", subcore_axis_name="s")
    out = pl.kernel(
        _gin_body,
        out_type=jax.ShapeDtypeStruct((N_NODES, D_FEAT), jnp.float32),
        mesh=mesh,
        compiler_params=pltpu.CompilerParams(use_tc_tiling_on_sc=False),
        scratch_types=[
            pltpu.VMEM_SHARED((N_NODES, H), jnp.float32),
            pltpu.VMEM_SHARED((N_PAD, H), jnp.float32),
            pltpu.VMEM((HCHUNK, CHUNK), jnp.int32),
            pltpu.VMEM((HCHUNK, CHUNK), jnp.int32),
            pltpu.VMEM((NB, CHUNK, H), jnp.float32),
            pltpu.VMEM((16,), jnp.float32),
            pltpu.SemaphoreType.DMA((NB,)),
            pltpu.SemaphoreType.DMA((NB,)),
            pltpu.SemaphoreType.DMA,
            pltpu.SemaphoreType.DMA,
        ],
    )(feat, srcp, dstp, eps16)
    return out

# --- scband reference (transcript-rebuilt; emitter-appended) ---
"""Pipeline reference for scband-ginconv-8856222564747 (READ-ONLY COPY).

The authoritative reference and input builder live on the scoring server;
editing this copy changes nothing except your own understanding.
"""

import jax, jax.numpy as jnp
import numpy as np

N_NODES = 10000
N_EDGES = 320000
D_FEAT = 128

def setup_inputs(seed: int = 0) -> dict:
    key = jax.random.key(seed)
    k1, k2 = jax.random.split(key, 2)
    feat = jax.random.normal(k1, (N_NODES, D_FEAT), dtype=jnp.float32)
    edge_index = jax.random.randint(k2, (2, N_EDGES), 0, N_NODES, dtype=jnp.int32)
    eps = jnp.zeros((1,), dtype=jnp.float32)  # buffer, init_eps=0, learn_eps=False
    return {"feat": feat, "edge_index": edge_index, "eps": eps}

def reference(feat, edge_index, eps):
    # GINConv forward with sum aggregation, apply_func=None, no residual.
    src = edge_index[0]
    dst = edge_index[1]
    # message: copy_src('h','m'); reduce: sum('m','neigh') -> scatter-add by dst
    msgs = jnp.take(feat, src, axis=0)
    neigh = jax.ops.segment_sum(msgs, dst, num_segments=N_NODES)
    rst = (1.0 + eps) * feat + neigh
    return rst

if __name__ == "__main__":
    import jax
    _d = setup_inputs()
    print(jax.jit(kernel)(*tuple(_d.values())))

</pallas_src>

<mosaic_0001>
#map = affine_map<(d0, d1) -> (0, 0)>
#map1 = affine_map<(d0, d1) -> (0, 0, 0)>
#map2 = affine_map<(d0, d1) -> (0)>
module attributes {stable_mosaic.version = 14 : i64} {
  func.func @_gin_body(%arg0: i32, %arg1: i32, %arg2: memref<10000x128xf32, #tpu.memory_space<hbm>>, %arg3: memref<16x158x128xi32, #tpu.memory_space<hbm>>, %arg4: memref<16x158x128xi32, #tpu.memory_space<hbm>>, %arg5: memref<16xf32, #tpu.memory_space<hbm>>, %arg6: memref<10000x128xf32, #tpu.memory_space<hbm>>, %arg7: memref<10000x64xf32, #tpu.memory_space<vmem_shared>>, %arg8: memref<10008x64xf32, #tpu.memory_space<vmem_shared>>, %arg9: memref<79x128xi32, #tpu.memory_space<vmem>>, %arg10: memref<79x128xi32, #tpu.memory_space<vmem>>, %arg11: memref<3x128x64xf32, #tpu.memory_space<vmem>>, %arg12: memref<16xf32, #tpu.memory_space<vmem>>, %arg13: memref<3x!tpu.dma_semaphore, #tpu.memory_space<semaphore_mem>>, %arg14: memref<3x!tpu.dma_semaphore, #tpu.memory_space<semaphore_mem>>, %arg15: memref<!tpu.dma_semaphore, #tpu.memory_space<semaphore_mem>>, %arg16: memref<!tpu.dma_semaphore, #tpu.memory_space<semaphore_mem>>) attributes {dimension_semantics = [#tpu.dimension_semantics<core_parallel>, #tpu.dimension_semantics<subcore_parallel>], iteration_bounds = array<i64: 2, 16>, scalar_prefetch = 0 : i64, scratch_operands = 10 : i64, tpu.core_type = #tpu.core_type<sc_vector_subcore>, window_params = [{transform_indices = #map}, {transform_indices = #map1}, {transform_indices = #map1}, {transform_indices = #map2}, {transform_indices = #map}]} {
    %mul3A = arith.constant 624 : i32
    %mul3A_0 = arith.muli %arg1, %mul3A : i32
    %mul3A_1 = arith.constant 64 : i32
    %mul3A_2 = arith.muli %arg0, %mul3A_1 : i32
    %mul3A_3 = arith.constant 624 : i32
    %mul3A_4 = arith.muli %arg1, %mul3A_3 : i32
    %dma_start3A = arith.constant 0 : i32
    %dma_start3A_5 = tpu.memref_slice %arg7[%mul3A_4, %dma_start3A] : memref<10000x64xf32, #tpu.memory_space<vmem_shared>> -> memref<624x64xf32, #tpu.memory_space<vmem_shared>>
    %dma_start3A_6 = tpu.memref_slice %arg2[%mul3A_0, %mul3A_2] : memref<10000x128xf32, #tpu.memory_space<hbm>> -> memref<624x64xf32, #tpu.memory_space<hbm>>
    tpu.enqueue_dma source(%dma_start3A_6 : memref<624x64xf32, #tpu.memory_space<hbm>>) target(%dma_start3A_5 : memref<624x64xf32, #tpu.memory_space<vmem_shared>>) target_semaphore(%arg16 : memref<!tpu.dma_semaphore, #tpu.memory_space<semaphore_mem>>)
    %dma_start3A_7 = arith.constant 0 : i32
    %dma_start3A_8 = arith.constant 0 : i32
    %dma_start3A_9 = tpu.memref_slice %arg3[%arg1, %dma_start3A_7, %dma_start3A_8] : memref<16x158x128xi32, #tpu.memory_space<hbm>> -> memref<1x79x128xi32, #tpu.memory_space<hbm>>
    %dma_start3A_10 = tpu.memref_squeeze %dma_start3A_9 : memref<1x79x128xi32, #tpu.memory_space<hbm>> -> memref<79x128xi32, #tpu.memory_space<hbm>>
    %dma_start3A_11 = arith.constant 0 : i32
    %dma_start3A_12 = arith.constant 0 : i32
    %dma_start3A_13 = tpu.memref_slice %arg3[%arg1, %dma_start3A_11, %dma_start3A_12] : memref<16x158x128xi32, #tpu.memory_space<hbm>> -> memref<1x79x128xi32, #tpu.memory_space<hbm>>
    %dma_start3A_14 = tpu.memref_squeeze %dma_start3A_13 : memref<1x79x128xi32, #tpu.memory_space<hbm>> -> memref<79x128xi32, #tpu.memory_space<hbm>>
    tpu.enqueue_dma source(%dma_start3A_14 : memref<79x128xi32, #tpu.memory_space<hbm>>) target(%arg9 : memref<79x128xi32, #tpu.memory_space<vmem>>) target_semaphore(%arg15 : memref<!tpu.dma_semaphore, #tpu.memory_space<semaphore_mem>>)
    %dma_start3A_15 = arith.constant 0 : i32
    %dma_start3A_16 = arith.constant 0 : i32
    %dma_start3A_17 = tpu.memref_slice %arg4[%arg1, %dma_start3A_15, %dma_start3A_16] : memref<16x158x128xi32, #tpu.memory_space<hbm>> -> memref<1x79x128xi32, #tpu.memory_space<hbm>>
    %dma_start3A_18 = tpu.memref_squeeze %dma_start3A_17 : memref<1x79x128xi32, #tpu.memory_space<hbm>> -> memref<79x128xi32, #tpu.memory_space<hbm>>
    %dma_start3A_19 = arith.constant 0 : i32
    %dma_start3A_20 = arith.constant 0 : i32
    %dma_start3A_21 = tpu.memref_slice %arg4[%arg1, %dma_start3A_19, %dma_start3A_20] : memref<16x158x128xi32, #tpu.memory_space<hbm>> -> memref<1x79x128xi32, #tpu.memory_space<hbm>>
    %dma_start3A_22 = tpu.memref_squeeze %dma_start3A_21 : memref<1x79x128xi32, #tpu.memory_space<hbm>> -> memref<79x128xi32, #tpu.memory_space<hbm>>
    tpu.enqueue_dma source(%dma_start3A_22 : memref<79x128xi32, #tpu.memory_space<hbm>>) target(%arg10 : memref<79x128xi32, #tpu.memory_space<vmem>>) target_semaphore(%arg15 : memref<!tpu.dma_semaphore, #tpu.memory_space<semaphore_mem>>)
    "tpu.region"() ({
      %run_scoped3A_236 = tpu.sem_alloc : memref<!tpu.dma_semaphore, #tpu.memory_space<semaphore_mem>>
      tpu.enqueue_dma source(%arg5 : memref<16xf32, #tpu.memory_space<hbm>>) target(%arg12 : memref<16xf32, #tpu.memory_space<vmem>>) target_semaphore(%run_scoped3A_236 : memref<!tpu.dma_semaphore, #tpu.memory_space<semaphore_mem>>)
      tpu.wait_dma2 semaphore(%run_scoped3A_236 : memref<!tpu.dma_semaphore, #tpu.memory_space<semaphore_mem>>) src(%arg5 : memref<16xf32, #tpu.memory_space<hbm>>) dst(%arg12 : memref<16xf32, #tpu.memory_space<vmem>>)
      tpu.yield
    }) : () -> ()
    %get3A = arith.constant 0 : index
    %get3A_23 = tpu.vector_load %arg12[%get3A] {strides = array<i32>} : memref<16xf32, #tpu.memory_space<vmem>>, vector<16xf32>,
    %get3A_24 = vector.shape_cast %get3A_23 : vector<16xf32> to vector<16xf32>
    %add3A = arith.constant 1.000000e+00 : f32
    %add3A_25 = vector.broadcast %add3A : f32 to vector<16xf32>
    %add3A_26 = arith.addf %get3A_24, %add3A_25 : vector<16xf32>
    %eq3A = arith.constant 15 : i32
    %eq3A_27 = arith.cmpi eq, %arg1, %eq3A : i32
    %convert_element_type3A = arith.extui %eq3A_27 : i1 to i32
    %cond3A = arith.constant 0 : i32
    %cond3A_28 = arith.cmpi ne, %convert_element_type3A, %cond3A : i32
    scf.if %cond3A_28 {
      %mul3A_236 = arith.constant 64 : i32
      %mul3A_237 = arith.muli %arg0, %mul3A_236 : i32
      "tpu.region"() ({
        %run_scoped3A_238 = tpu.sem_alloc : memref<!tpu.dma_semaphore, #tpu.memory_space<semaphore_mem>>
        %dma_start3A_239 = arith.constant 9984 : i32
        %dma_start3A_240 = arith.constant 0 : i32
        %dma_start3A_241 = tpu.memref_slice %arg7[%dma_start3A_239, %dma_start3A_240] : memref<10000x64xf32, #tpu.memory_space<vmem_shared>> -> memref<16x64xf32, #tpu.memory_space<vmem_shared>>
        %dma_start3A_242 = arith.constant 9984 : i32
        %dma_start3A_243 = tpu.memref_slice %arg2[%dma_start3A_242, %mul3A_237] : memref<10000x128xf32, #tpu.memory_space<hbm>> -> memref<16x64xf32, #tpu.memory_space<hbm>>
        tpu.enqueue_dma source(%dma_start3A_243 : memref<16x64xf32, #tpu.memory_space<hbm>>) target(%dma_start3A_241 : memref<16x64xf32, #tpu.memory_space<vmem_shared>>) target_semaphore(%run_scoped3A_238 : memref<!tpu.dma_semaphore, #tpu.memory_space<semaphore_mem>>)
        %dma_wait3A_244 = arith.constant 9984 : i32
        %dma_wait3A_245 = arith.constant 0 : i32
        %dma_wait3A_246 = tpu.memref_slice %arg7[%dma_wait3A_244, %dma_wait3A_245] : memref<10000x64xf32, #tpu.memory_space<vmem_shared>> -> memref<16x64xf32, #tpu.memory_space<vmem_shared>>
        %dma_wait3A_247 = arith.constant 9984 : i32
        %dma_wait3A_248 = tpu.memref_slice %arg2[%dma_wait3A_247, %mul3A_237] : memref<10000x128xf32, #tpu.memory_space<hbm>> -> memref<16x64xf32, #tpu.memory_space<hbm>>
        tpu.wait_dma2 semaphore(%run_scoped3A_238 : memref<!tpu.dma_semaphore, #tpu.memory_space<semaphore_mem>>) src(%dma_wait3A_248 : memref<16x64xf32, #tpu.memory_space<hbm>>) dst(%dma_wait3A_246 : memref<16x64xf32, #tpu.memory_space<vmem_shared>>)
        tpu.yield
      }) : () -> ()
    } else {
    }
    %dma_wait3A = arith.constant 0 : i32
    %dma_wait3A_29 = tpu.memref_slice %arg7[%mul3A_4, %dma_wait3A] : memref<10000x64xf32, #tpu.memory_space<vmem_shared>> -> memref<624x64xf32, #tpu.memory_space<vmem_shared>>
    %dma_wait3A_30 = tpu.memref_slice %arg2[%mul3A_0, %mul3A_2] : memref<10000x128xf32, #tpu.memory_space<hbm>> -> memref<624x64xf32, #tpu.memory_space<hbm>>
    tpu.wait_dma2 semaphore(%arg16 : memref<!tpu.dma_semaphore, #tpu.memory_space<semaphore_mem>>) src(%dma_wait3A_30 : memref<624x64xf32, #tpu.memory_space<hbm>>) dst(%dma_wait3A_29 : memref<624x64xf32, #tpu.memory_space<vmem_shared>>)
    %mul3A_31 = arith.constant 624 : i32
    %mul3A_32 = arith.muli %arg1, %mul3A_31 : i32
    %add3A_33 = arith.constant 0 : i32
    %add3A_34 = arith.addi %mul3A_32, %add3A_33 : i32
    %run_scoped3A = arith.constant 2 : i32
    "tpu.region"() ({
      %run_scoped3A_236 = tpu.sem_alloc : memref<!tpu.dma_semaphore, #tpu.memory_space<semaphore_mem>>
      %dma_start3A_237 = arith.constant 0 : i32
      %dma_start3A_238 = arith.constant 0 : i32
      %dma_start3A_239 = tpu.memref_slice %arg11[%run_scoped3A, %dma_start3A_237, %dma_start3A_238] : memref<3x128x64xf32, #tpu.memory_space<vmem>> -> memref<1x104x64xf32, #tpu.memory_space<vmem>>
      %dma_start3A_240 = tpu.memref_squeeze %dma_start3A_239 : memref<1x104x64xf32, #tpu.memory_space<vmem>> -> memref<104x64xf32, #tpu.memory_space<vmem>>
      %dma_start3A_241 = arith.constant 0 : i32
      %dma_start3A_242 = tpu.memref_slice %arg7[%add3A_34, %dma_start3A_241] : memref<10000x64xf32, #tpu.memory_space<vmem_shared>> -> memref<104x64xf32, #tpu.memory_space<vmem_shared>>
      %dma_start3A_243 = arith.constant 0 : i32
      %dma_start3A_244 = arith.constant 0 : i32
      %dma_start3A_245 = tpu.memref_slice %arg11[%run_scoped3A, %dma_start3A_243, %dma_start3A_244] : memref<3x128x64xf32, #tpu.memory_space<vmem>> -> memref<1x104x64xf32, #tpu.memory_space<vmem>>
      %dma_start3A_246 = tpu.memref_squeeze %dma_start3A_245 : memref<1x104x64xf32, #tpu.memory_space<vmem>> -> memref<104x64xf32, #tpu.memory_space<vmem>>
      %dma_start3A_247 = arith.constant 0 : i32
      %dma_start3A_248 = tpu.memref_slice %arg7[%add3A_34, %dma_start3A_247] : memref<10000x64xf32, #tpu.memory_space<vmem_shared>> -> memref<104x64xf32, #tpu.memory_space<vmem_shared>>
      tpu.enqueue_dma source(%dma_start3A_248 : memref<104x64xf32, #tpu.memory_space<vmem_shared>>) target(%dma_start3A_246 : memref<104x64xf32, #tpu.memory_space<vmem>>) target_semaphore(%run_scoped3A_236 : memref<!tpu.dma_semaphore, #tpu.memory_space<semaphore_mem>>)
      %dma_wait3A_249 = arith.constant 0 : i32
      %dma_wait3A_250 = arith.constant 0 : i32
      %dma_wait3A_251 = tpu.memref_slice %arg11[%run_scoped3A, %dma_wait3A_249, %dma_wait3A_250] : memref<3x128x64xf32, #tpu.memory_space<vmem>> -> memref<1x104x64xf32, #tpu.memory_space<vmem>>
      %dma_wait3A_252 = tpu.memref_squeeze %dma_wait3A_251 : memref<1x104x64xf32, #tpu.memory_space<vmem>> -> memref<104x64xf32, #tpu.memory_space<vmem>>
      %dma_wait3A_253 = arith.constant 0 : i32
      %dma_wait3A_254 = tpu.memref_slice %arg7[%add3A_34, %dma_wait3A_253] : memref<10000x64xf32, #tpu.memory_space<vmem_shared>> -> memref<104x64xf32, #tpu.memory_space<vmem_shared>>
      %dma_wait3A_255 = arith.constant 0 : i32
      %dma_wait3A_256 = arith.constant 0 : i32
      %dma_wait3A_257 = tpu.memref_slice %arg11[%run_scoped3A, %dma_wait3A_255, %dma_wait3A_256] : memref<3x128x64xf32, #tpu.memory_space<vmem>> -> memref<1x104x64xf32, #tpu.memory_space<vmem>>
      %dma_wait3A_258 = tpu.memref_squeeze %dma_wait3A_257 : memref<1x104x64xf32, #tpu.memory_space<vmem>> -> memref<104x64xf32, #tpu.memory_space<vmem>>
      %dma_wait3A_259 = arith.constant 0 : i32
      %dma_wait3A_260 = tpu.memref_slice %arg7[%add3A_34, %dma_wait3A_259] : memref<10000x64xf32, #tpu.memory_space<vmem_shared>> -> memref<104x64xf32, #tpu.memory_space<vmem_shared>>
      tpu.wait_dma2 semaphore(%run_scoped3A_236 : memref<!tpu.dma_semaphore, #tpu.memory_space<semaphore_mem>>) src(%dma_wait3A_260 : memref<104x64xf32, #tpu.memory_space<vmem_shared>>) dst(%dma_wait3A_258 : memref<104x64xf32, #tpu.memory_space<vmem>>)
      tpu.yield
    }) : () -> ()
    %scan3A = arith.constant 0 : i32
    %scan3A_35 = arith.constant 0 : i32
    %scan3A_36 = arith.constant 104 : i32
    %scan3A_37 = arith.addi %scan3A_35, %scan3A_36 : i32
    %scan3A_38 = arith.constant 1 : i32
    scf.for %scan3A_236 = %scan3A_35 to %scan3A_37 step %scan3A_38  : i32 {
      %get3A_237 = arith.constant 2 : i32
      %get3A_238 = arith.index_cast %get3A_237 : i32 to index
      %get3A_239 = arith.index_cast %scan3A_236 : i32 to index
      %get3A_240 = arith.constant 0 : index
      %get3A_241 = tpu.vector_load %arg11[%get3A_238, %get3A_239, %get3A_240] {strides = array<i32>} : memref<3x128x64xf32, #tpu.memory_space<vmem>>, vector<1x1x16xf32>,
      %get3A_242 = vector.shape_cast %get3A_241 : vector<1x1x16xf32> to vector<16xf32>
      %mul3A_243 = arith.mulf %get3A_242, %add3A_26 : vector<16xf32>
      %swap3A = arith.constant 2 : i32
      %swap3A_244 = arith.index_cast %swap3A : i32 to index
      %swap3A_245 = arith.index_cast %scan3A_236 : i32 to index
      %swap3A_246 = arith.constant 0 : index
      %swap3A_247 = tpu.vector_load %arg11[%swap3A_244, %swap3A_245, %swap3A_246] {strides = array<i32>} : memref<3x128x64xf32, #tpu.memory_space<vmem>>, vector<1x1x16xf32>,
      %swap3A_248 = vector.shape_cast %swap3A_247 : vector<1x1x16xf32> to vector<16xf32>
      %swap3A_249 = vector.shape_cast %mul3A_243 : vector<16xf32> to vector<1x1x16xf32>
      tpu.vector_store %arg11[%swap3A_244, %swap3A_245, %swap3A_246], %swap3A_249 {strides = array<i32>} : memref<3x128x64xf32, #tpu.memory_space<vmem>>, vector<1x1x16xf32>,
      %get3A_250 = arith.constant 2 : i32
      %get3A_251 = arith.index_cast %get3A_250 : i32 to index
      %get3A_252 = arith.index_cast %scan3A_236 : i32 to index
      %get3A_253 = arith.constant 16 : index
      %get3A_254 = tpu.vector_load %arg11[%get3A_251, %get3A_252, %get3A_253] {strides = array<i32>} : memref<3x128x64xf32, #tpu.memory_space<vmem>>, vector<1x1x16xf32>,
      %get3A_255 = vector.shape_cast %get3A_254 : vector<1x1x16xf32> to vector<16xf32>
      %mul3A_256 = arith.mulf %get3A_255, %add3A_26 : vector<16xf32>
      %swap3A_257 = arith.constant 2 : i32
      %swap3A_258 = arith.index_cast %swap3A_257 : i32 to index
      %swap3A_259 = arith.index_cast %scan3A_236 : i32 to index
      %swap3A_260 = arith.constant 16 : index
      %swap3A_261 = tpu.vector_load %arg11[%swap3A_258, %swap3A_259, %swap3A_260] {strides = array<i32>} : memref<3x128x64xf32, #tpu.memory_space<vmem>>, vector<1x1x16xf32>,
      %swap3A_262 = vector.shape_cast %swap3A_261 : vector<1x1x16xf32> to vector<16xf32>
      %swap3A_263 = vector.shape_cast %mul3A_256 : vector<16xf32> to vector<1x1x16xf32>
      tpu.vector_store %arg11[%swap3A_258, %swap3A_259, %swap3A_260], %swap3A_263 {strides = array<i32>} : memref<3x128x64xf32, #tpu.memory_space<vmem>>, vector<1x1x16xf32>,
      %get3A_264 = arith.constant 2 : i32
      %get3A_265 = arith.index_cast %get3A_264 : i32 to index
      %get3A_266 = arith.index_cast %scan3A_236 : i32 to index
      %get3A_267 = arith.constant 32 : index
      %get3A_268 = tpu.vector_load %arg11[%get3A_265, %get3A_266, %get3A_267] {strides = array<i32>} : memref<3x128x64xf32, #tpu.memory_space<vmem>>, vector<1x1x16xf32>,
      %get3A_269 = vector.shape_cast %get3A_268 : vector<1x1x16xf32> to vector<16xf32>
      %mul3A_270 = arith.mulf %get3A_269, %add3A_26 : vector<16xf32>
      %swap3A_271 = arith.constant 2 : i32
      %swap3A_272 = arith.index_cast %swap3A_271 : i32 to index
      %swap3A_273 = arith.index_cast %scan3A_236 : i32 to index
      %swap3A_274 = arith.constant 32 : index
      %swap3A_275 = tpu.vector_load %arg11[%swap3A_272, %swap3A_273, %swap3A_274] {strides = array<i32>} : memref<3x128x64xf32, #tpu.memory_space<vmem>>, vector<1x1x16xf32>,
      %swap3A_276 = vector.shape_cast %swap3A_275 : vector<1x1x16xf32> to vector<16xf32>
      %swap3A_277 = vector.shape_cast %mul3A_270 : vector<16xf32> to vector<1x1x16xf32>
      tpu.vector_store %arg11[%swap3A_272, %swap3A_273, %swap3A_274], %swap3A_277 {strides = array<i32>} : memref<3x128x64xf32, #tpu.memory_space<vmem>>, vector<1x1x16xf32>,
      %get3A_278 = arith.constant 2 : i32
      %get3A_279 = arith.index_cast %get3A_278 : i32 to index
      %get3A_280 = arith.index_cast %scan3A_236 : i32 to index
      %get3A_281 = arith.constant 48 : index
      %get3A_282 = tpu.vector_load %arg11[%get3A_279, %get3A_280, %get3A_281] {strides = array<i32>} : memref<3x128x64xf32, #tpu.memory_space<vmem>>, vector<1x1x16xf32>,
      %get3A_283 = vector.shape_cast %get3A_282 : vector<1x1x16xf32> to vector<16xf32>
      %mul3A_284 = arith.mulf %get3A_283, %add3A_26 : vector<16xf32>
      %swap3A_285 = arith.constant 2 : i32
      %swap3A_286 = arith.index_cast %swap3A_285 : i32 to index
      %swap3A_287 = arith.index_cast %scan3A_236 : i32 to index
      %swap3A_288 = arith.constant 48 : index
      %swap3A_289 = tpu.vector_load %arg11[%swap3A_286, %swap3A_287, %swap3A_288] {strides = array<i32>} : memref<3x128x64xf32, #tpu.memory_space<vmem>>, vector<1x1x16xf32>,
      %swap3A_290 = vector.shape_cast %swap3A_289 : vector<1x1x16xf32> to vector<16xf32>
      %swap3A_291 = vector.shape_cast %mul3A_284 : vector<16xf32> to vector<1x1x16xf32>
      tpu.vector_store %arg11[%swap3A_286, %swap3A_287, %swap3A_288], %swap3A_291 {strides = array<i32>} : memref<3x128x64xf32, #tpu.memory_space<vmem>>, vector<1x1x16xf32>,
    }
    %scan3A_39 = arith.constant 104 : i32
    %run_scoped3A_40 = arith.constant 2 : i32
    "tpu.region"() ({
      %run_scoped3A_236 = tpu.sem_alloc : memref<!tpu.dma_semaphore, #tpu.memory_space<semaphore_mem>>
      %dma_start3A_237 = arith.constant 0 : i32
      %dma_start3A_238 = arith.constant 0 : i32
      %dma_start3A_239 = tpu.memref_slice %arg11[%run_scoped3A_40, %dma_start3A_237, %dma_start3A_238] : memref<3x128x64xf32, #tpu.memory_space<vmem>> -> memref<1x104x64xf32, #tpu.memory_space<vmem>>
      %dma_start3A_240 = tpu.memref_squeeze %dma_start3A_239 : memref<1x104x64xf32, #tpu.memory_space<vmem>> -> memref<104x64xf32, #tpu.memory_space<vmem>>
      %dma_start3A_241 = arith.constant 0 : i32
      %dma_start3A_242 = tpu.memref_slice %arg8[%add3A_34, %dma_start3A_241] : memref<10008x64xf32, #tpu.memory_space<vmem_shared>> -> memref<104x64xf32, #tpu.memory_space<vmem_shared>>
      %dma_start3A_243 = arith.constant 0 : i32
      %dma_start3A_244 = tpu.memref_slice %arg8[%add3A_34, %dma_start3A_243] : memref<10008x64xf32, #tpu.memory_space<vmem_shared>> -> memref<104x64xf32, #tpu.memory_space<vmem_shared>>
      %dma_start3A_245 = arith.constant 0 : i32
      %dma_start3A_246 = arith.constant 0 : i32
      %dma_start3A_247 = tpu.memref_slice %arg11[%run_scoped3A_40, %dma_start3A_245, %dma_start3A_246] : memref<3x128x64xf32, #tpu.memory_space<vmem>> -> memref<1x104x64xf32, #tpu.memory_space<vmem>>
      %dma_start3A_248 = tpu.memref_squeeze %dma_start3A_247 : memref<1x104x64xf32, #tpu.memory_space<vmem>> -> memref<104x64xf32, #tpu.memory_space<vmem>>
      tpu.enqueue_dma source(%dma_start3A_248 : memref<104x64xf32, #tpu.memory_space<vmem>>) target(%dma_start3A_244 : memref<104x64xf32, #tpu.memory_space<vmem_shared>>) target_semaphore(%run_scoped3A_236 : memref<!tpu.dma_semaphore, #tpu.memory_space<semaphore_mem>>)
      %dma_wait3A_249 = arith.constant 0 : i32
      %dma_wait3A_250 = arith.constant 0 : i32
      %dma_wait3A_251 = tpu.memref_slice %arg11[%run_scoped3A_40, %dma_wait3A_249, %dma_wait3A_250] : memref<3x128x64xf32, #tpu.memory_space<vmem>> -> memref<1x104x64xf32, #tpu.memory_space<vmem>>
      %dma_wait3A_252 = tpu.memref_squeeze %dma_wait3A_251 : memref<1x104x64xf32, #tpu.memory_space<vmem>> -> memref<104x64xf32, #tpu.memory_space<vmem>>
      %dma_wait3A_253 = arith.constant 0 : i32
      %dma_wait3A_254 = tpu.memref_slice %arg8[%add3A_34, %dma_wait3A_253] : memref<10008x64xf32, #tpu.memory_space<vmem_shared>> -> memref<104x64xf32, #tpu.memory_space<vmem_shared>>
      %dma_wait3A_255 = arith.constant 0 : i32
      %dma_wait3A_256 = tpu.memref_slice %arg8[%add3A_34, %dma_wait3A_255] : memref<10008x64xf32, #tpu.memory_space<vmem_shared>> -> memref<104x64xf32, #tpu.memory_space<vmem_shared>>
      %dma_wait3A_257 = arith.constant 0 : i32
      %dma_wait3A_258 = arith.constant 0 : i32
      %dma_wait3A_259 = tpu.memref_slice %arg11[%run_scoped3A_40, %dma_wait3A_257, %dma_wait3A_258] : memref<3x128x64xf32, #tpu.memory_space<vmem>> -> memref<1x104x64xf32, #tpu.memory_space<vmem>>
      %dma_wait3A_260 = tpu.memref_squeeze %dma_wait3A_259 : memref<1x104x64xf32, #tpu.memory_space<vmem>> -> memref<104x64xf32, #tpu.memory_space<vmem>>
      tpu.wait_dma2 semaphore(%run_scoped3A_236 : memref<!tpu.dma_semaphore, #tpu.memory_space<semaphore_mem>>) src(%dma_wait3A_260 : memref<104x64xf32, #tpu.memory_space<vmem>>) dst(%dma_wait3A_256 : memref<104x64xf32, #tpu.memory_space<vmem_shared>>)
      tpu.yield
    }) : () -> ()
    %mul3A_41 = arith.constant 624 : i32
    %mul3A_42 = arith.muli %arg1, %mul3A_41 : i32
    %add3A_43 = arith.constant 104 : i32
    %add3A_44 = arith.addi %mul3A_42, %add3A_43 : i32
    %run_scoped3A_45 = arith.constant 2 : i32
    "tpu.region"() ({
      %run_scoped3A_236 = tpu.sem_alloc : memref<!tpu.dma_semaphore, #tpu.memory_space<semaphore_mem>>
      %dma_start3A_237 = arith.constant 0 : i32
      %dma_start3A_238 = arith.constant 0 : i32
      %dma_start3A_239 = tpu.memref_slice %arg11[%run_scoped3A_45, %dma_start3A_237, %dma_start3A_238] : memref<3x128x64xf32, #tpu.memory_space<vmem>> -> memref<1x104x64xf32, #tpu.memory_space<vmem>>
      %dma_start3A_240 = tpu.memref_squeeze %dma_start3A_239 : memref<1x104x64xf32, #tpu.memory_space<vmem>> -> memref<104x64xf32, #tpu.memory_space<vmem>>
      %dma_start3A_241 = arith.constant 0 : i32
      %dma_start3A_242 = tpu.memref_slice %arg7[%add3A_44, %dma_start3A_241] : memref<10000x64xf32, #tpu.memory_space<vmem_shared>> -> memref<104x64xf32, #tpu.memory_space<vmem_shared>>
      %dma_start3A_243 = arith.constant 0 : i32
      %dma_start3A_244 = arith.constant 0 : i32
      %dma_start3A_245 = tpu.memref_slice %arg11[%run_scoped3A_45, %dma_start3A_243, %dma_start3A_244] : memref<3x128x64xf32, #tpu.memory_space<vmem>> -> memref<1x104x64xf32, #tpu.memory_space<vmem>>
      %dma_start3A_246 = tpu.memref_squeeze %dma_start3A_245 : memref<1x104x64xf32, #tpu.memory_space<vmem>> -> memref<104x64xf32, #tpu.memory_space<vmem>>
      %dma_start3A_247 = arith.constant 0 : i32
      %dma_start3A_248 = tpu.memref_slice %arg7[%add3A_44, %dma_start3A_247] : memref<10000x64xf32, #tpu.memory_space<vmem_shared>> -> memref<104x64xf32, #tpu.memory_space<vmem_shared>>
      tpu.enqueue_dma source(%dma_start3A_248 : memref<104x64xf32, #tpu.memory_space<vmem_shared>>) target(%dma_start3A_246 : memref<104x64xf32, #tpu.memory_space<vmem>>) target_semaphore(%run_scoped3A_236 : memref<!tpu.dma_semaphore, #tpu.memory_space<semaphore_mem>>)
      %dma_wait3A_249 = arith.constant 0 : i32
      %dma_wait3A_250 = arith.constant 0 : i32
      %dma_wait3A_251 = tpu.memref_slice %arg11[%run_scoped3A_45, %dma_wait3A_249, %dma_wait3A_250] : memref<3x128x64xf32, #tpu.memory_space<vmem>> -> memref<1x104x64xf32, #tpu.memory_space<vmem>>
      %dma_wait3A_252 = tpu.memref_squeeze %dma_wait3A_251 : memref<1x104x64xf32, #tpu.memory_space<vmem>> -> memref<104x64xf32, #tpu.memory_space<vmem>>
      %dma_wait3A_253 = arith.constant 0 : i32
      %dma_wait3A_254 = tpu.memref_slice %arg7[%add3A_44, %dma_wait3A_253] : memref<10000x64xf32, #tpu.memory_space<vmem_shared>> -> memref<104x64xf32, #tpu.memory_space<vmem_shared>>
      %dma_wait3A_255 = arith.constant 0 : i32
      %dma_wait3A_256 = arith.constant 0 : i32
      %dma_wait3A_257 = tpu.memref_slice %arg11[%run_scoped3A_45, %dma_wait3A_255, %dma_wait3A_256] : memref<3x128x64xf32, #tpu.memory_space<vmem>> -> memref<1x104x64xf32, #tpu.memory_space<vmem>>
      %dma_wait3A_258 = tpu.memref_squeeze %dma_wait3A_257 : memref<1x104x64xf32, #tpu.memory_space<vmem>> -> memref<104x64xf32, #tpu.memory_space<vmem>>
      %dma_wait3A_259 = arith.constant 0 : i32
      %dma_wait3A_260 = tpu.memref_slice %arg7[%add3A_44, %dma_wait3A_259] : memref<10000x64xf32, #tpu.memory_space<vmem_shared>> -> memref<104x64xf32, #tpu.memory_space<vmem_shared>>
      tpu.wait_dma2 semaphore(%run_scoped3A_236 : memref<!tpu.dma_semaphore, #tpu.memory_space<semaphore_mem>>) src(%dma_wait3A_260 : memref<104x64xf32, #tpu.memory_space<vmem_shared>>) dst(%dma_wait3A_258 : memref<104x64xf32, #tpu.memory_space<vmem>>)
      tpu.yield
    }) : () -> ()
    %scan3A_46 = arith.constant 0 : i32
    %scan3A_47 = arith.constant 0 : i32
    %scan3A_48 = arith.constant 104 : i32
    %scan3A_49 = arith.addi %scan3A_47, %scan3A_48 : i32
    %scan3A_50 = arith.constant 1 : i32
    scf.for %scan3A_236 = %scan3A_47 to %scan3A_49 step %scan3A_50  : i32 {
      %get3A_237 = arith.constant 2 : i32
      %get3A_238 = arith.index_cast %get3A_237 : i32 to index
      %get3A_239 = arith.index_cast %scan3A_236 : i32 to index
      %get3A_240 = arith.constant 0 : index
      %get3A_241 = tpu.vector_load %arg11[%get3A_238, %get3A_239, %get3A_240] {strides = array<i32>} : memref<3x128x64xf32, #tpu.memory_space<vmem>>, vector<1x1x16xf32>,
      %get3A_242 = vector.shape_cast %get3A_241 : vector<1x1x16xf32> to vector<16xf32>
      %mul3A_243 = arith.mulf %get3A_242, %add3A_26 : vector<16xf32>
      %swap3A = arith.constant 2 : i32
      %swap3A_244 = arith.index_cast %swap3A : i32 to index
      %swap3A_245 = arith.index_cast %scan3A_236 : i32 to index
      %swap3A_246 = arith.constant 0 : index
      %swap3A_247 = tpu.vector_load %arg11[%swap3A_244, %swap3A_245, %swap3A_246] {strides = array<i32>} : memref<3x128x64xf32, #tpu.memory_space<vmem>>, vector<1x1x16xf32>,
      %swap3A_248 = vector.shape_cast %swap3A_247 : vector<1x1x16xf32> to vector<16xf32>
      %swap3A_249 = vector.shape_cast %mul3A_243 : vector<16xf32> to vector<1x1x16xf32>
      tpu.vector_store %arg11[%swap3A_244, %swap3A_245, %swap3A_246], %swap3A_249 {strides = array<i32>} : memref<3x128x64xf32, #tpu.memory_space<vmem>>, vector<1x1x16xf32>,
      %get3A_250 = arith.constant 2 : i32
      %get3A_251 = arith.index_cast %get3A_250 : i32 to index
      %get3A_252 = arith.index_cast %scan3A_236 : i32 to index
      %get3A_253 = arith.constant 16 : index
      %get3A_254 = tpu.vector_load %arg11[%get3A_251, %get3A_252, %get3A_253] {strides = array<i32>} : memref<3x128x64xf32, #tpu.memory_space<vmem>>, vector<1x1x16xf32>,
      %get3A_255 = vector.shape_cast %get3A_254 : vector<1x1x16xf32> to vector<16xf32>
      %mul3A_256 = arith.mulf %get3A_255, %add3A_26 : vector<16xf32>
      %swap3A_257 = arith.constant 2 : i32
      %swap3A_258 = arith.index_cast %swap3A_257 : i32 to index
      %swap3A_259 = arith.index_cast %scan3A_236 : i32 to index
      %swap3A_260 = arith.constant 16 : index
      %swap3A_261 = tpu.vector_load %arg11[%swap3A_258, %swap3A_259, %swap3A_260] {strides = array<i32>} : memref<3x128x64xf32, #tpu.memory_space<vmem>>, vector<1x1x16xf32>,
      %swap3A_262 = vector.shape_cast %swap3A_261 : vector<1x1x16xf32> to vector<16xf32>
      %swap3A_263 = vector.shape_cast %mul3A_256 : vector<16xf32> to vector<1x1x16xf32>
      tpu.vector_store %arg11[%swap3A_258, %swap3A_259, %swap3A_260], %swap3A_263 {strides = array<i32>} : memref<3x128x64xf32, #tpu.memory_space<vmem>>, vector<1x1x16xf32>,
      %get3A_264 = arith.constant 2 : i32
      %get3A_265 = arith.index_cast %get3A_264 : i32 to index
      %get3A_266 = arith.index_cast %scan3A_236 : i32 to index
      %get3A_267 = arith.constant 32 : index
      %get3A_268 = tpu.vector_load %arg11[%get3A_265, %get3A_266, %get3A_267] {strides = array<i32>} : memref<3x128x64xf32, #tpu.memory_space<vmem>>, vector<1x1x16xf32>,
      %get3A_269 = vector.shape_cast %get3A_268 : vector<1x1x16xf32> to vector<16xf32>
      %mul3A_270 = arith.mulf %get3A_269, %add3A_26 : vector<16xf32>
      %swap3A_271 = arith.constant 2 : i32
      %swap3A_272 = arith.index_cast %swap3A_271 : i32 to index
      %swap3A_273 = arith.index_cast %scan3A_236 : i32 to index
      %swap3A_274 = arith.constant 32 : index
      %swap3A_275 = tpu.vector_load %arg11[%swap3A_272, %swap3A_273, %swap3A_274] {strides = array<i32>} : memref<3x128x64xf32, #tpu.memory_space<vmem>>, vector<1x1x16xf32>,
      %swap3A_276 = vector.shape_cast %swap3A_275 : vector<1x1x16xf32> to vector<16xf32>
      %swap3A_277 = vector.shape_cast %mul3A_270 : vector<16xf32> to vector<1x1x16xf32>
      tpu.vector_store %arg11[%swap3A_272, %swap3A_273, %swap3A_274], %swap3A_277 {strides = array<i32>} : memref<3x128x64xf32, #tpu.memory_space<vmem>>, vector<1x1x16xf32>,
      %get3A_278 = arith.constant 2 : i32
      %get3A_279 = arith.index_cast %get3A_278 : i32 to index
      %get3A_280 = arith.index_cast %scan3A_236 : i32 to index
      %get3A_281 = arith.constant 48 : index
      %get3A_282 = tpu.vector_load %arg11[%get3A_279, %get3A_280, %get3A_281] {strides = array<i32>} : memref<3x128x64xf32, #tpu.memory_space<vmem>>, vector<1x1x16xf32>,
      %get3A_283 = vector.shape_cast %get3A_282 : vector<1x1x16xf32> to vector<16xf32>
      %mul3A_284 = arith.mulf %get3A_283, %add3A_26 : vector<16xf32>
      %swap3A_285 = arith.constant 2 : i32
      %swap3A_286 = arith.index_cast %swap3A_285 : i32 to index
      %swap3A_287 = arith.index_cast %scan3A_236 : i32 to index
      %swap3A_288 = arith.constant 48 : index
      %swap3A_289 = tpu.vector_load %arg11[%swap3A_286, %swap3A_287, %swap3A_288] {strides = array<i32>} : memref<3x128x64xf32, #tpu.memory_space<vmem>>, vector<1x1x16xf32>,
      %swap3A_290 = vector.shape_cast %swap3A_289 : vector<1x1x16xf32> to vector<16xf32>
      %swap3A_291 = vector.shape_cast %mul3A_284 : vector<16xf32> to vector<1x1x16xf32>
      tpu.vector_store %arg11[%swap3A_286, %swap3A_287, %swap3A_288], %swap3A_291 {strides = array<i32>} : memref<3x128x64xf32, #tpu.memory_space<vmem>>, vector<1x1x16xf32>,
    }
    %scan3A_51 = arith.constant 104 : i32
    %run_scoped3A_52 = arith.constant 2 : i32
    "tpu.region"() ({
      %run_scoped3A_236 = tpu.sem_alloc : memref<!tpu.dma_semaphore, #tpu.memory_space<semaphore_mem>>
      %dma_start3A_237 = arith.constant 0 : i32
      %dma_start3A_238 = arith.constant 0 : i32
      %dma_start3A_239 = tpu.memref_slice %arg11[%run_scoped3A_52, %dma_start3A_237, %dma_start3A_238] : memref<3x128x64xf32, #tpu.memory_space<vmem>> -> memref<1x104x64xf32, #tpu.memory_space<vmem>>
      %dma_start3A_240 = tpu.memref_squeeze %dma_start3A_239 : memref<1x104x64xf32, #tpu.memory_space<vmem>> -> memref<104x64xf32, #tpu.memory_space<vmem>>
      %dma_start3A_241 = arith.constant 0 : i32
      %dma_start3A_242 = tpu.memref_slice %arg8[%add3A_44, %dma_start3A_241] : memref<10008x64xf32, #tpu.memory_space<vmem_shared>> -> memref<104x64xf32, #tpu.memory_space<vmem_shared>>
      %dma_start3A_243 = arith.constant 0 : i32
      %dma_start3A_244 = tpu.memref_slice %arg8[%add3A_44, %dma_start3A_243] : memref<10008x64xf32, #tpu.memory_space<vmem_shared>> -> memref<104x64xf32, #tpu.memory_space<vmem_shared>>
      %dma_start3A_245 = arith.constant 0 : i32
      %dma_start3A_246 = arith.constant 0 : i32
      %dma_start3A_247 = tpu.memref_slice %arg11[%run_scoped3A_52, %dma_start3A_245, %dma_start3A_246] : memref<3x128x64xf32, #tpu.memory_space<vmem>> -> memref<1x104x64xf32, #tpu.memory_space<vmem>>
      %dma_start3A_248 = tpu.memref_squeeze %dma_start3A_247 : memref<1x104x64xf32, #tpu.memory_space<vmem>> -> memref<104x64xf32, #tpu.memory_space<vmem>>
      tpu.enqueue_dma source(%dma_start3A_248 : memref<104x64xf32, #tpu.memory_space<vmem>>) target(%dma_start3A_244 : memref<104x64xf32, #tpu.memory_space<vmem_shared>>) target_semaphore(%run_scoped3A_236 : memref<!tpu.dma_semaphore, #tpu.memory_space<semaphore_mem>>)
      %dma_wait3A_249 = arith.constant 0 : i32
      %dma_wait3A_250 = arith.constant 0 : i32
      %dma_wait3A_251 = tpu.memref_slice %arg11[%run_scoped3A_52, %dma_wait3A_249, %dma_wait3A_250] : memref<3x128x64xf32, #tpu.memory_space<vmem>> -> memref<1x104x64xf32, #tpu.memory_space<vmem>>
      %dma_wait3A_252 = tpu.memref_squeeze %dma_wait3A_251 : memref<1x104x64xf32, #tpu.memory_space<vmem>> -> memref<104x64xf32, #tpu.memory_space<vmem>>
      %dma_wait3A_253 = arith.constant 0 : i32
      %dma_wait3A_254 = tpu.memref_slice %arg8[%add3A_44, %dma_wait3A_253] : memref<10008x64xf32, #tpu.memory_space<vmem_shared>> -> memref<104x64xf32, #tpu.memory_space<vmem_shared>>
      %dma_wait3A_255 = arith.constant 0 : i32
      %dma_wait3A_256 = tpu.memref_slice %arg8[%add3A_44, %dma_wait3A_255] : memref<10008x64xf32, #tpu.memory_space<vmem_shared>> -> memref<104x64xf32, #tpu.memory_space<vmem_shared>>
      %dma_wait3A_257 = arith.constant 0 : i32
      %dma_wait3A_258 = arith.constant 0 : i32
      %dma_wait3A_259 = tpu.memref_slice %arg11[%run_scoped3A_52, %dma_wait3A_257, %dma_wait3A_258] : memref<3x128x64xf32, #tpu.memory_space<vmem>> -> memref<1x104x64xf32, #tpu.memory_space<vmem>>
      %dma_wait3A_260 = tpu.memref_squeeze %dma_wait3A_259 : memref<1x104x64xf32, #tpu.memory_space<vmem>> -> memref<104x64xf32, #tpu.memory_space<vmem>>
      tpu.wait_dma2 semaphore(%run_scoped3A_236 : memref<!tpu.dma_semaphore, #tpu.memory_space<semaphore_mem>>) src(%dma_wait3A_260 : memref<104x64xf32, #tpu.memory_space<vmem>>) dst(%dma_wait3A_256 : memref<104x64xf32, #tpu.memory_space<vmem_shared>>)
      tpu.yield
    }) : () -> ()
    %mul3A_53 = arith.constant 624 : i32
    %mul3A_54 = arith.muli %arg1, %mul3A_53 : i32
    %add3A_55 = arith.constant 208 : i32
    %add3A_56 = arith.addi %mul3A_54, %add3A_55 : i32
    %run_scoped3A_57 = arith.constant 2 : i32
    "tpu.region"() ({
      %run_scoped3A_236 = tpu.sem_alloc : memref<!tpu.dma_semaphore, #tpu.memory_space<semaphore_mem>>
      %dma_start3A_237 = arith.constant 0 : i32
      %dma_start3A_238 = arith.constant 0 : i32
      %dma_start3A_239 = tpu.memref_slice %arg11[%run_scoped3A_57, %dma_start3A_237, %dma_start3A_238] : memref<3x128x64xf32, #tpu.memory_space<vmem>> -> memref<1x104x64xf32, #tpu.memory_space<vmem>>
      %dma_start3A_240 = tpu.memref_squeeze %dma_start3A_239 : memref<1x104x64xf32, #tpu.memory_space<vmem>> -> memref<104x64xf32, #tpu.memory_space<vmem>>
      %dma_start3A_241 = arith.constant 0 : i32
      %dma_start3A_242 = tpu.memref_slice %arg7[%add3A_56, %dma_start3A_241] : memref<10000x64xf32, #tpu.memory_space<vmem_shared>> -> memref<104x64xf32, #tpu.memory_space<vmem_shared>>
      %dma_start3A_243 = arith.constant 0 : i32
      %dma_start3A_244 = arith.constant 0 : i32
      %dma_start3A_245 = tpu.memref_slice %arg11[%run_scoped3A_57, %dma_start3A_243, %dma_start3A_244] : memref<3x128x64xf32, #tpu.memory_space<vmem>> -> memref<1x104x64xf32, #tpu.memory_space<vmem>>
      %dma_start3A_246 = tpu.memref_squeeze %dma_start3A_245 : memref<1x104x64xf32, #tpu.memory_space<vmem>> -> memref<104x64xf32, #tpu.memory_space<vmem>>
      %dma_start3A_247 = arith.constant 0 : i32
      %dma_start3A_248 = tpu.memref_slice %arg7[%add3A_56, %dma_start3A_247] : memref<10000x64xf32, #tpu.memory_space<vmem_shared>> -> memref<104x64xf32, #tpu.memory_space<vmem_shared>>
      tpu.enqueue_dma source(%dma_start3A_248 : memref<104x64xf32, #tpu.memory_space<vmem_shared>>) target(%dma_start3A_246 : memref<104x64xf32, #tpu.memory_space<vmem>>) target_semaphore(%run_scoped3A_236 : memref<!tpu.dma_semaphore, #tpu.memory_space<semaphore_mem>>)
      %dma_wait3A_249 = arith.constant 0 : i32
      %dma_wait3A_250 = arith.constant 0 : i32
      %dma_wait3A_251 = tpu.memref_slice %arg11[%run_scoped3A_57, %dma_wait3A_249, %dma_wait3A_250] : memref<3x128x64xf32, #tpu.memory_space<vmem>> -> memref<1x104x64xf32, #tpu.memory_space<vmem>>
      %dma_wait3A_252 = tpu.memref_squeeze %dma_wait3A_251 : memref<1x104x64xf32, #tpu.memory_space<vmem>> -> memref<104x64xf32, #tpu.memory_space<vmem>>
      %dma_wait3A_253 = arith.constant 0 : i32
      %dma_wait3A_254 = tpu.memref_slice %arg7[%add3A_56, %dma_wait3A_253] : memref<10000x64xf32, #tpu.memory_space<vmem_shared>> -> memref<104x64xf32, #tpu.memory_space<vmem_shared>>
      %dma_wait3A_255 = arith.constant 0 : i32
      %dma_wait3A_256 = arith.constant 0 : i32
      %dma_wait3A_257 = tpu.memref_slice %arg11[%run_scoped3A_57, %dma_wait3A_255, %dma_wait3A_256] : memref<3x128x64xf32, #tpu.memory_space<vmem>> -> memref<1x104x64xf32, #tpu.memory_space<vmem>>
      %dma_wait3A_258 = tpu.memref_squeeze %dma_wait3A_257 : memref<1x104x64xf32, #tpu.memory_space<vmem>> -> memref<104x64xf32, #tpu.memory_space<vmem>>
      %dma_wait3A_259 = arith.constant 0 : i32
      %dma_wait3A_260 = tpu.memref_slice %arg7[%add3A_56, %dma_wait3A_259] : memref<10000x64xf32, #tpu.memory_space<vmem_shared>> -> memref<104x64xf32, #tpu.memory_space<vmem_shared>>
      tpu.wait_dma2 semaphore(%run_scoped3A_236 : memref<!tpu.dma_semaphore, #tpu.memory_space<semaphore_mem>>) src(%dma_wait3A_260 : memref<104x64xf32, #tpu.memory_space<vmem_shared>>) dst(%dma_wait3A_258 : memref<104x64xf32, #tpu.memory_space<vmem>>)
      tpu.yield
    }) : () -> ()
    %scan3A_58 = arith.constant 0 : i32
    %scan3A_59 = arith.constant 0 : i32
    %scan3A_60 = arith.constant 104 : i32
    %scan3A_61 = arith.addi %scan3A_59, %scan3A_60 : i32
    %scan3A_62 = arith.constant 1 : i32
    scf.for %scan3A_236 = %scan3A_59 to %scan3A_61 step %scan3A_62  : i32 {
      %get3A_237 = arith.constant 2 : i32
      %get3A_238 = arith.index_cast %get3A_237 : i32 to index
      %get3A_239 = arith.index_cast %scan3A_236 : i32 to index
      %get3A_240 = arith.constant 0 : index
      %get3A_241 = tpu.vector_load %arg11[%get3A_238, %get3A_239, %get3A_240] {strides = array<i32>} : memref<3x128x64xf32, #tpu.memory_space<vmem>>, vector<1x1x16xf32>,
      %get3A_242 = vector.shape_cast %get3A_241 : vector<1x1x16xf32> to vector<16xf32>
      %mul3A_243 = arith.mulf %get3A_242, %add3A_26 : vector<16xf32>
      %swap3A = arith.constant 2 : i32
      %swap3A_244 = arith.index_cast %swap3A : i32 to index
      %swap3A_245 = arith.index_cast %scan3A_236 : i32 to index
      %swap3A_246 = arith.constant 0 : index
      %swap3A_247 = tpu.vector_load %arg11[%swap3A_244, %swap3A_245, %swap3A_246] {strides = array<i32>} : memref<3x128x64xf32, #tpu.memory_space<vmem>>, vector<1x1x16xf32>,
      %swap3A_248 = vector.shape_cast %swap3A_247 : vector<1x1x16xf32> to vector<16xf32>
      %swap3A_249 = vector.shape_cast %mul3A_243 : vector<16xf32> to vector<1x1x16xf32>
      tpu.vector_store %arg11[%swap3A_244, %swap3A_245, %swap3A_246], %swap3A_249 {strides = array<i32>} : memref<3x128x64xf32, #tpu.memory_space<vmem>>, vector<1x1x16xf32>,
      %get3A_250 = arith.constant 2 : i32
      %get3A_251 = arith.index_cast %get3A_250 : i32 to index
      %get3A_252 = arith.index_cast %scan3A_236 : i32 to index
      %get3A_253 = arith.constant 16 : index
      %get3A_254 = tpu.vector_load %arg11[%get3A_251, %get3A_252, %get3A_253] {strides = array<i32>} : memref<3x128x64xf32, #tpu.memory_space<vmem>>, vector<1x1x16xf32>,
      %get3A_255 = vector.shape_cast %get3A_254 : vector<1x1x16xf32> to vector<16xf32>
      %mul3A_256 = arith.mulf %get3A_255, %add3A_26 : vector<16xf32>
      %swap3A_257 = arith.constant 2 : i32
      %swap3A_258 = arith.index_cast %swap3A_257 : i32 to index
      %swap3A_259 = arith.index_cast %scan3A_236 : i32 to index
      %swap3A_260 = arith.constant 16 : index
      %swap3A_261 = tpu.vector_load %arg11[%swap3A_258, %swap3A_259, %swap3A_260] {strides = array<i32>} : memref<3x128x64xf32, #tpu.memory_space<vmem>>, vector<1x1x16xf32>,
      %swap3A_262 = vector.shape_cast %swap3A_261 : vector<1x1x16xf32> to vector<16xf32>
      %swap3A_263 = vector.shape_cast %mul3A_256 : vector<16xf32> to vector<1x1x16xf32>
      tpu.vector_store %arg11[%swap3A_258, %swap3A_259, %swap3A_260], %swap3A_263 {strides = array<i32>} : memref<3x128x64xf32, #tpu.memory_space<vmem>>, vector<1x1x16xf32>,
      %get3A_264 = arith.constant 2 : i32
      %get3A_265 = arith.index_cast %get3A_264 : i32 to index
      %get3A_266 = arith.index_cast %scan3A_236 : i32 to index
      %get3A_267 = arith.constant 32 : index
      %get3A_268 = tpu.vector_load %arg11[%get3A_265, %get3A_266, %get3A_267] {strides = array<i32>} : memref<3x128x64xf32, #tpu.memory_space<vmem>>, vector<1x1x16xf32>,
      %get3A_269 = vector.shape_cast %get3A_268 : vector<1x1x16xf32> to vector<16xf32>
      %mul3A_270 = arith.mulf %get3A_269, %add3A_26 : vector<16xf32>
      %swap3A_271 = arith.constant 2 : i32
      %swap3A_272 = arith.index_cast %swap3A_271 : i32 to index
      %swap3A_273 = arith.index_cast %scan3A_236 : i32 to index
      %swap3A_274 = arith.constant 32 : index
      %swap3A_275 = tpu.vector_load %arg11[%swap3A_272, %swap3A_273, %swap3A_274] {strides = array<i32>} : memref<3x128x64xf32, #tpu.memory_space<vmem>>, vector<1x1x16xf32>,
      %swap3A_276 = vector.shape_cast %swap3A_275 : vector<1x1x16xf32> to vector<16xf32>
      %swap3A_277 = vector.shape_cast %mul3A_270 : vector<16xf32> to vector<1x1x16xf32>
      tpu.vector_store %arg11[%swap3A_272, %swap3A_273, %swap3A_274], %swap3A_277 {strides = array<i32>} : memref<3x128x64xf32, #tpu.memory_space<vmem>>, vector<1x1x16xf32>,
      %get3A_278 = arith.constant 2 : i32
      %get3A_279 = arith.index_cast %get3A_278 : i32 to index
      %get3A_280 = arith.index_cast %scan3A_236 : i32 to index
      %get3A_281 = arith.constant 48 : index
      %get3A_282 = tpu.vector_load %arg11[%get3A_279, %get3A_280, %get3A_281] {strides = array<i32>} : memref<3x128x64xf32, #tpu.memory_space<vmem>>, vector<1x1x16xf32>,
      %get3A_283 = vector.shape_cast %get3A_282 : vector<1x1x16xf32> to vector<16xf32>
      %mul3A_284 = arith.mulf %get3A_283, %add3A_26 : vector<16xf32>
      %swap3A_285 = arith.constant 2 : i32
      %swap3A_286 = arith.index_cast %swap3A_285 : i32 to index
      %swap3A_287 = arith.index_cast %scan3A_236 : i32 to index
      %swap3A_288 = arith.constant 48 : index
      %swap3A_289 = tpu.vector_load %arg11[%swap3A_286, %swap3A_287, %swap3A_288] {strides = array<i32>} : memref<3x128x64xf32, #tpu.memory_space<vmem>>, vector<1x1x16xf32>,
      %swap3A_290 = vector.shape_cast %swap3A_289 : vector<1x1x16xf32> to vector<16xf32>
      %swap3A_291 = vector.shape_cast %mul3A_284 : vector<16xf32> to vector<1x1x16xf32>
      tpu.vector_store %arg11[%swap3A_286, %swap3A_287, %swap3A_288], %swap3A_291 {strides = array<i32>} : memref<3x128x64xf32, #tpu.memory_space<vmem>>, vector<1x1x16xf32>,
    }
    %scan3A_63 = arith.constant 104 : i32
    %run_scoped3A_64 = arith.constant 2 : i32
    "tpu.region"() ({
      %run_scoped3A_236 = tpu.sem_alloc : memref<!tpu.dma_semaphore, #tpu.memory_space<semaphore_mem>>
      %dma_start3A_237 = arith.constant 0 : i32
      %dma_start3A_238 = arith.constant 0 : i32
      %dma_start3A_239 = tpu.memref_slice %arg11[%run_scoped3A_64, %dma_start3A_237, %dma_start3A_238] : memref<3x128x64xf32, #tpu.memory_space<vmem>> -> memref<1x104x64xf32, #tpu.memory_space<vmem>>
      %dma_start3A_240 = tpu.memref_squeeze %dma_start3A_239 : memref<1x104x64xf32, #tpu.memory_space<vmem>> -> memref<104x64xf32, #tpu.memory_space<vmem>>
      %dma_start3A_241 = arith.constant 0 : i32
      %dma_start3A_242 = tpu.memref_slice %arg8[%add3A_56, %dma_start3A_241] : memref<10008x64xf32, #tpu.memory_space<vmem_shared>> -> memref<104x64xf32, #tpu.memory_space<vmem_shared>>
      %dma_start3A_243 = arith.constant 0 : i32
      %dma_start3A_244 = tpu.memref_slice %arg8[%add3A_56, %dma_start3A_243] : memref<10008x64xf32, #tpu.memory_space<vmem_shared>> -> memref<104x64xf32, #tpu.memory_space<vmem_shared>>
      %dma_start3A_245 = arith.constant 0 : i32
      %dma_start3A_246 = arith.constant 0 : i32
      %dma_start3A_247 = tpu.memref_slice %arg11[%run_scoped3A_64, %dma_start3A_245, %dma_start3A_246] : memref<3x128x64xf32, #tpu.memory_space<vmem>> -> memref<1x104x64xf32, #tpu.memory_space<vmem>>
      %dma_start3A_248 = tpu.memref_squeeze %dma_start3A_247 : memref<1x104x64xf32, #tpu.memory_space<vmem>> -> memref<104x64xf32, #tpu.memory_space<vmem>>
      tpu.enqueue_dma source(%dma_start3A_248 : memref<104x64xf32, #tpu.memory_space<vmem>>) target(%dma_start3A_244 : memref<104x64xf32, #tpu.memory_space<vmem_shared>>) target_semaphore(%run_scoped3A_236 : memref<!tpu.dma_semaphore, #tpu.memory_space<semaphore_mem>>)
      %dma_wait3A_249 = arith.constant 0 : i32
      %dma_wait3A_250 = arith.constant 0 : i32
      %dma_wait3A_251 = tpu.memref_slice %arg11[%run_scoped3A_64, %dma_wait3A_249, %dma_wait3A_250] : memref<3x128x64xf32, #tpu.memory_space<vmem>> -> memref<1x104x64xf32, #tpu.memory_space<vmem>>
      %dma_wait3A_252 = tpu.memref_squeeze %dma_wait3A_251 : memref<1x104x64xf32, #tpu.memory_space<vmem>> -> memref<104x64xf32, #tpu.memory_space<vmem>>
      %dma_wait3A_253 = arith.constant 0 : i32
      %dma_wait3A_254 = tpu.memref_slice %arg8[%add3A_56, %dma_wait3A_253] : memref<10008x64xf32, #tpu.memory_space<vmem_shared>> -> memref<104x64xf32, #tpu.memory_space<vmem_shared>>
      %dma_wait3A_255 = arith.constant 0 : i32
      %dma_wait3A_256 = tpu.memref_slice %arg8[%add3A_56, %dma_wait3A_255] : memref<10008x64xf32, #tpu.memory_space<vmem_shared>> -> memref<104x64xf32, #tpu.memory_space<vmem_shared>>
      %dma_wait3A_257 = arith.constant 0 : i32
      %dma_wait3A_258 = arith.constant 0 : i32
      %dma_wait3A_259 = tpu.memref_slice %arg11[%run_scoped3A_64, %dma_wait3A_257, %dma_wait3A_258] : memref<3x128x64xf32, #tpu.memory_space<vmem>> -> memref<1x104x64xf32, #tpu.memory_space<vmem>>
      %dma_wait3A_260 = tpu.memref_squeeze %dma_wait3A_259 : memref<1x104x64xf32, #tpu.memory_space<vmem>> -> memref<104x64xf32, #tpu.memory_space<vmem>>
      tpu.wait_dma2 semaphore(%run_scoped3A_236 : memref<!tpu.dma_semaphore, #tpu.memory_space<semaphore_mem>>) src(%dma_wait3A_260 : memref<104x64xf32, #tpu.memory_space<vmem>>) dst(%dma_wait3A_256 : memref<104x64xf32, #tpu.memory_space<vmem_shared>>)
      tpu.yield
    }) : () -> ()
    %mul3A_65 = arith.constant 624 : i32
    %mul3A_66 = arith.muli %arg1, %mul3A_65 : i32
    %add3A_67 = arith.constant 312 : i32
    %add3A_68 = arith.addi %mul3A_66, %add3A_67 : i32
    %run_scoped3A_69 = arith.constant 2 : i32
    "tpu.region"() ({
      %run_scoped3A_236 = tpu.sem_alloc : memref<!tpu.dma_semaphore, #tpu.memory_space<semaphore_mem>>
      %dma_start3A_237 = arith.constant 0 : i32
      %dma_start3A_238 = arith.constant 0 : i32
      %dma_start3A_239 = tpu.memref_slice %arg11[%run_scoped3A_69, %dma_start3A_237, %dma_start3A_238] : memref<3x128x64xf32, #tpu.memory_space<vmem>> -> memref<1x104x64xf32, #tpu.memory_space<vmem>>
      %dma_start3A_240 = tpu.memref_squeeze %dma_start3A_239 : memref<1x104x64xf32, #tpu.memory_space<vmem>> -> memref<104x64xf32, #tpu.memory_space<vmem>>
      %dma_start3A_241 = arith.constant 0 : i32
      %dma_start3A_242 = tpu.memref_slice %arg7[%add3A_68, %dma_start3A_241] : memref<10000x64xf32, #tpu.memory_space<vmem_shared>> -> memref<104x64xf32, #tpu.memory_space<vmem_shared>>
      %dma_start3A_243 = arith.constant 0 : i32
      %dma_start3A_244 = arith.constant 0 : i32
      %dma_start3A_245 = tpu.memref_slice %arg11[%run_scoped3A_69, %dma_start3A_243, %dma_start3A_244] : memref<3x128x64xf32, #tpu.memory_space<vmem>> -> memref<1x104x64xf32, #tpu.memory_space<vmem>>
      %dma_start3A_246 = tpu.memref_squeeze %dma_start3A_245 : memref<1x104x64xf32, #tpu.memory_space<vmem>> -> memref<104x64xf32, #tpu.memory_space<vmem>>
      %dma_start3A_247 = arith.constant 0 : i32
      %dma_start3A_248 = tpu.memref_slice %arg7[%add3A_68, %dma_start3A_247] : memref<10000x64xf32, #tpu.memory_space<vmem_shared>> -> memref<104x64xf32, #tpu.memory_space<vmem_shared>>
      tpu.enqueue_dma source(%dma_start3A_248 : memref<104x64xf32, #tpu.memory_space<vmem_shared>>) target(%dma_start3A_246 : memref<104x64xf32, #tpu.memory_space<vmem>>) target_semaphore(%run_scoped3A_236 : memref<!tpu.dma_semaphore, #tpu.memory_space<semaphore_mem>>)
      %dma_wait3A_249 = arith.constant 0 : i32
      %dma_wait3A_250 = arith.constant 0 : i32
      %dma_wait3A_251 = tpu.memref_slice %arg11[%run_scoped3A_69, %dma_wait3A_249, %dma_wait3A_250] : memref<3x128x64xf32, #tpu.memory_space<vmem>> -> memref<1x104x64xf32, #tpu.memory_space<vmem>>
      %dma_wait3A_252 = tpu.memref_squeeze %dma_wait3A_251 : memref<1x104x64xf32, #tpu.memory_space<vmem>> -> memref<104x64xf32, #tpu.memory_space<vmem>>
      %dma_wait3A_253 = arith.constant 0 : i32
      %dma_wait3A_254 = tpu.memref_slice %arg7[%add3A_68, %dma_wait3A_253] : memref<10000x64xf32, #tpu.memory_space<vmem_shared>> -> memref<104x64xf32, #tpu.memory_space<vmem_shared>>
      %dma_wait3A_255 = arith.constant 0 : i32
      %dma_wait3A_256 = arith.constant 0 : i32
      %dma_wait3A_257 = tpu.memref_slice %arg11[%run_scoped3A_69, %dma_wait3A_255, %dma_wait3A_256] : memref<3x128x64xf32, #tpu.memory_space<vmem>> -> memref<1x104x64xf32, #tpu.memory_space<vmem>>
      %dma_wait3A_258 = tpu.memref_squeeze %dma_wait3A_257 : memref<1x104x64xf32, #tpu.memory_space<vmem>> -> memref<104x64xf32, #tpu.memory_space<vmem>>
      %dma_wait3A_259 = arith.constant 0 : i32
      %dma_wait3A_260 = tpu.memref_slice %arg7[%add3A_68, %dma_wait3A_259] : memref<10000x64xf32, #tpu.memory_space<vmem_shared>> -> memref<104x64xf32, #tpu.memory_space<vmem_shared>>
      tpu.wait_dma2 semaphore(%run_scoped3A_236 : memref<!tpu.dma_semaphore, #tpu.memory_space<semaphore_mem>>) src(%dma_wait3A_260 : memref<104x64xf32, #tpu.memory_space<vmem_shared>>) dst(%dma_wait3A_258 : memref<104x64xf32, #tpu.memory_space<vmem>>)
      tpu.yield
    }) : () -> ()
    %scan3A_70 = arith.constant 0 : i32
    %scan3A_71 = arith.constant 0 : i32
    %scan3A_72 = arith.constant 104 : i32
    %scan3A_73 = arith.addi %scan3A_71, %scan3A_72 : i32
    %scan3A_74 = arith.constant 1 : i32
    scf.for %scan3A_236 = %scan3A_71 to %scan3A_73 step %scan3A_74  : i32 {
      %get3A_237 = arith.constant 2 : i32
      %get3A_238 = arith.index_cast %get3A_237 : i32 to index
      %get3A_239 = arith.index_cast %scan3A_236 : i32 to index
      %get3A_240 = arith.constant 0 : index
      %get3A_241 = tpu.vector_load %arg11[%get3A_238, %get3A_239, %get3A_240] {strides = array<i32>} : memref<3x128x64xf32, #tpu.memory_space<vmem>>, vector<1x1x16xf32>,
      %get3A_242 = vector.shape_cast %get3A_241 : vector<1x1x16xf32> to vector<16xf32>
      %mul3A_243 = arith.mulf %get3A_242, %add3A_26 : vector<16xf32>
      %swap3A = arith.constant 2 : i32
      %swap3A_244 = arith.index_cast %swap3A : i32 to index
      %swap3A_245 = arith.index_cast %scan3A_236 : i32 to index
      %swap3A_246 = arith.constant 0 : index
      %swap3A_247 = tpu.vector_load %arg11[%swap3A_244, %swap3A_245, %swap3A_246] {strides = array<i32>} : memref<3x128x64xf32, #tpu.memory_space<vmem>>, vector<1x1x16xf32>,
      %swap3A_248 = vector.shape_cast %swap3A_247 : vector<1x1x16xf32> to vector<16xf32>
      %swap3A_249 = vector.shape_cast %mul3A_243 : vector<16xf32> to vector<1x1x16xf32>
      tpu.vector_store %arg11[%swap3A_244, %swap3A_245, %swap3A_246], %swap3A_249 {strides = array<i32>} : memref<3x128x64xf32, #tpu.memory_space<vmem>>, vector<1x1x16xf32>,
      %get3A_250 = arith.constant 2 : i32
      %get3A_251 = arith.index_cast %get3A_250 : i32 to index
      %get3A_252 = arith.index_cast %scan3A_236 : i32 to index
      %get3A_253 = arith.constant 16 : index
      %get3A_254 = tpu.vector_load %arg11[%get3A_251, %get3A_252, %get3A_253] {strides = array<i32>} : memref<3x128x64xf32, #tpu.memory_space<vmem>>, vector<1x1x16xf32>,
      %get3A_255 = vector.shape_cast %get3A_254 : vector<1x1x16xf32> to vector<16xf32>
      %mul3A_256 = arith.mulf %get3A_255, %add3A_26 : vector<16xf32>
      %swap3A_257 = arith.constant 2 : i32
      %swap3A_258 = arith.index_cast %swap3A_257 : i32 to index
      %swap3A_259 = arith.index_cast %scan3A_236 : i32 to index
      %swap3A_260 = arith.constant 16 : index
      %swap3A_261 = tpu.vector_load %arg11[%swap3A_258, %swap3A_259, %swap3A_260] {strides = array<i32>} : memref<3x128x64xf32, #tpu.memory_space<vmem>>, vector<1x1x16xf32>,
      %swap3A_262 = vector.shape_cast %swap3A_261 : vector<1x1x16xf32> to vector<16xf32>
      %swap3A_263 = vector.shape_cast %mul3A_256 : vector<16xf32> to vector<1x1x16xf32>
      tpu.vector_store %arg11[%swap3A_258, %swap3A_259, %swap3A_260], %swap3A_263 {strides = array<i32>} : memref<3x128x64xf32, #tpu.memory_space<vmem>>, vector<1x1x16xf32>,
      %get3A_264 = arith.constant 2 : i32
      %get3A_265 = arith.index_cast %get3A_264 : i32 to index
      %get3A_266 = arith.index_cast %scan3A_236 : i32 to index
      %get3A_267 = arith.constant 32 : index
      %get3A_268 = tpu.vector_load %arg11[%get3A_265, %get3A_266, %get3A_267] {strides = array<i32>} : memref<3x128x64xf32, #tpu.memory_space<vmem>>, vector<1x1x16xf32>,
      %get3A_269 = vector.shape_cast %get3A_268 : vector<1x1x16xf32> to vector<16xf32>
      %mul3A_270 = arith.mulf %get3A_269, %add3A_26 : vector<16xf32>
      %swap3A_271 = arith.constant 2 : i32
      %swap3A_272 = arith.index_cast %swap3A_271 : i32 to index
      %swap3A_273 = arith.index_cast %scan3A_236 : i32 to index
      %swap3A_274 = arith.constant 32 : index
      %swap3A_275 = tpu.vector_load %arg11[%swap3A_272, %swap3A_273, %swap3A_274] {strides = array<i32>} : memref<3x128x64xf32, #tpu.memory_space<vmem>>, vector<1x1x16xf32>,
      %swap3A_276 = vector.shape_cast %swap3A_275 : vector<1x1x16xf32> to vector<16xf32>
      %swap3A_277 = vector.shape_cast %mul3A_270 : vector<16xf32> to vector<1x1x16xf32>
      tpu.vector_store %arg11[%swap3A_272, %swap3A_273, %swap3A_274], %swap3A_277 {strides = array<i32>} : memref<3x128x64xf32, #tpu.memory_space<vmem>>, vector<1x1x16xf32>,
      %get3A_278 = arith.constant 2 : i32
      %get3A_279 = arith.index_cast %get3A_278 : i32 to index
      %get3A_280 = arith.index_cast %scan3A_236 : i32 to index
      %get3A_281 = arith.constant 48 : index
      %get3A_282 = tpu.vector_load %arg11[%get3A_279, %get3A_280, %get3A_281] {strides = array<i32>} : memref<3x128x64xf32, #tpu.memory_space<vmem>>, vector<1x1x16xf32>,
      %get3A_283 = vector.shape_cast %get3A_282 : vector<1x1x16xf32> to vector<16xf32>
      %mul3A_284 = arith.mulf %get3A_283, %add3A_26 : vector<16xf32>
      %swap3A_285 = arith.constant 2 : i32
      %swap3A_286 = arith.index_cast %swap3A_285 : i32 to index
      %swap3A_287 = arith.index_cast %scan3A_236 : i32 to index
      %swap3A_288 = arith.constant 48 : index
      %swap3A_289 = tpu.vector_load %arg11[%swap3A_286, %swap3A_287, %swap3A_288] {strides = array<i32>} : memref<3x128x64xf32, #tpu.memory_space<vmem>>, vector<1x1x16xf32>,
      %swap3A_290 = vector.shape_cast %swap3A_289 : vector<1x1x16xf32> to vector<16xf32>
      %swap3A_291 = vector.shape_cast %mul3A_284 : vector<16xf32> to vector<1x1x16xf32>
      tpu.vector_store %arg11[%swap3A_286, %swap3A_287, %swap3A_288], %swap3A_291 {strides = array<i32>} : memref<3x128x64xf32, #tpu.memory_space<vmem>>, vector<1x1x16xf32>,
    }
    %scan3A_75 = arith.constant 104 : i32
    %run_scoped3A_76 = arith.constant 2 : i32
    "tpu.region"() ({
      %run_scoped3A_236 = tpu.sem_alloc : memref<!tpu.dma_semaphore, #tpu.memory_space<semaphore_mem>>
      %dma_start3A_237 = arith.constant 0 : i32
      %dma_start3A_238 = arith.constant 0 : i32
      %dma_start3A_239 = tpu.memref_slice %arg11[%run_scoped3A_76, %dma_start3A_237, %dma_start3A_238] : memref<3x128x64xf32, #tpu.memory_space<vmem>> -> memref<1x104x64xf32, #tpu.memory_space<vmem>>
      %dma_start3A_240 = tpu.memref_squeeze %dma_start3A_239 : memref<1x104x64xf32, #tpu.memory_space<vmem>> -> memref<104x64xf32, #tpu.memory_space<vmem>>
      %dma_start3A_241 = arith.constant 0 : i32
      %dma_start3A_242 = tpu.memref_slice %arg8[%add3A_68, %dma_start3A_241] : memref<10008x64xf32, #tpu.memory_space<vmem_shared>> -> memref<104x64xf32, #tpu.memory_space<vmem_shared>>
      %dma_start3A_243 = arith.constant 0 : i32
      %dma_start3A_244 = tpu.memref_slice %arg8[%add3A_68, %dma_start3A_243] : memref<10008x64xf32, #tpu.memory_space<vmem_shared>> -> memref<104x64xf32, #tpu.memory_space<vmem_shared>>
      %dma_start3A_245 = arith.constant 0 : i32
      %dma_start3A_246 = arith.constant 0 : i32
      %dma_start3A_247 = tpu.memref_slice %arg11[%run_scoped3A_76, %dma_start3A_245, %dma_start3A_246] : memref<3x128x64xf32, #tpu.memory_space<vmem>> -> memref<1x104x64xf32, #tpu.memory_space<vmem>>
      %dma_start3A_248 = tpu.memref_squeeze %dma_start3A_247 : memref<1x104x64xf32, #tpu.memory_space<vmem>> -> memref<104x64xf32, #tpu.memory_space<vmem>>
      tpu.enqueue_dma source(%dma_start3A_248 : memref<104x64xf32, #tpu.memory_space<vmem>>) target(%dma_start3A_244 : memref<104x64xf32, #tpu.memory_space<vmem_shared>>) target_semaphore(%run_scoped3A_236 : memref<!tpu.dma_semaphore, #tpu.memory_space<semaphore_mem>>)
      %dma_wait3A_249 = arith.constant 0 : i32
      %dma_wait3A_250 = arith.constant 0 : i32
      %dma_wait3A_251 = tpu.memref_slice %arg11[%run_scoped3A_76, %dma_wait3A_249, %dma_wait3A_250] : memref<3x128x64xf32, #tpu.memory_space<vmem>> -> memref<1x104x64xf32, #tpu.memory_space<vmem>>
      %dma_wait3A_252 = tpu.memref_squeeze %dma_wait3A_251 : memref<1x104x64xf32, #tpu.memory_space<vmem>> -> memref<104x64xf32, #tpu.memory_space<vmem>>
      %dma_wait3A_253 = arith.constant 0 : i32
      %dma_wait3A_254 = tpu.memref_slice %arg8[%add3A_68, %dma_wait3A_253] : memref<10008x64xf32, #tpu.memory_space<vmem_shared>> -> memref<104x64xf32, #tpu.memory_space<vmem_shared>>
      %dma_wait3A_255 = arith.constant 0 : i32
      %dma_wait3A_256 = tpu.memref_slice %arg8[%add3A_68, %dma_wait3A_255] : memref<10008x64xf32, #tpu.memory_space<vmem_shared>> -> memref<104x64xf32, #tpu.memory_space<vmem_shared>>
      %dma_wait3A_257 = arith.constant 0 : i32
      %dma_wait3A_258 = arith.constant 0 : i32
      %dma_wait3A_259 = tpu.memref_slice %arg11[%run_scoped3A_76, %dma_wait3A_257, %dma_wait3A_258] : memref<3x128x64xf32, #tpu.memory_space<vmem>> -> memref<1x104x64xf32, #tpu.memory_space<vmem>>
      %dma_wait3A_260 = tpu.memref_squeeze %dma_wait3A_259 : memref<1x104x64xf32, #tpu.memory_space<vmem>> -> memref<104x64xf32, #tpu.memory_space<vmem>>
      tpu.wait_dma2 semaphore(%run_scoped3A_236 : memref<!tpu.dma_semaphore, #tpu.memory_space<semaphore_mem>>) src(%dma_wait3A_260 : memref<104x64xf32, #tpu.memory_space<vmem>>) dst(%dma_wait3A_256 : memref<104x64xf32, #tpu.memory_space<vmem_shared>>)
      tpu.yield
    }) : () -> ()
    %mul3A_77 = arith.constant 624 : i32
    %mul3A_78 = arith.muli %arg1, %mul3A_77 : i32
    %add3A_79 = arith.constant 416 : i32
    %add3A_80 = arith.addi %mul3A_78, %add3A_79 : i32
    %run_scoped3A_81 = arith.constant 2 : i32
    "tpu.region"() ({
      %run_scoped3A_236 = tpu.sem_alloc : memref<!tpu.dma_semaphore, #tpu.memory_space<semaphore_mem>>
      %dma_start3A_237 = arith.constant 0 : i32
      %dma_start3A_238 = arith.constant 0 : i32
      %dma_start3A_239 = tpu.memref_slice %arg11[%run_scoped3A_81, %dma_start3A_237, %dma_start3A_238] : memref<3x128x64xf32, #tpu.memory_space<vmem>> -> memref<1x104x64xf32, #tpu.memory_space<vmem>>
      %dma_start3A_240 = tpu.memref_squeeze %dma_start3A_239 : memref<1x104x64xf32, #tpu.memory_space<vmem>> -> memref<104x64xf32, #tpu.memory_space<vmem>>
      %dma_start3A_241 = arith.constant 0 : i32
      %dma_start3A_242 = tpu.memref_slice %arg7[%add3A_80, %dma_start3A_241] : memref<10000x64xf32, #tpu.memory_space<vmem_shared>> -> memref<104x64xf32, #tpu.memory_space<vmem_shared>>
      %dma_start3A_243 = arith.constant 0 : i32
      %dma_start3A_244 = arith.constant 0 : i32
      %dma_start3A_245 = tpu.memref_slice %arg11[%run_scoped3A_81, %dma_start3A_243, %dma_start3A_244] : memref<3x128x64xf32, #tpu.memory_space<vmem>> -> memref<1x104x64xf32, #tpu.memory_space<vmem>>
      %dma_start3A_246 = tpu.memref_squeeze %dma_start3A_245 : memref<1x104x64xf32, #tpu.memory_space<vmem>> -> memref<104x64xf32, #tpu.memory_space<vmem>>
      %dma_start3A_247 = arith.constant 0 : i32
      %dma_start3A_248 = tpu.memref_slice %arg7[%add3A_80, %dma_start3A_247] : memref<10000x64xf32, #tpu.memory_space<vmem_shared>> -> memref<104x64xf32, #tpu.memory_space<vmem_shared>>
      tpu.enqueue_dma source(%dma_start3A_248 : memref<104x64xf32, #tpu.memory_space<vmem_shared>>) target(%dma_start3A_246 : memref<104x64xf32, #tpu.memory_space<vmem>>) target_semaphore(%run_scoped3A_236 : memref<!tpu.dma_semaphore, #tpu.memory_space<semaphore_mem>>)
      %dma_wait3A_249 = arith.constant 0 : i32
      %dma_wait3A_250 = arith.constant 0 : i32
      %dma_wait3A_251 = tpu.memref_slice %arg11[%run_scoped3A_81, %dma_wait3A_249, %dma_wait3A_250] : memref<3x128x64xf32, #tpu.memory_space<vmem>> -> memref<1x104x64xf32, #tpu.memory_space<vmem>>
      %dma_wait3A_252 = tpu.memref_squeeze %dma_wait3A_251 : memref<1x104x64xf32, #tpu.memory_space<vmem>> -> memref<104x64xf32, #tpu.memory_space<vmem>>
      %dma_wait3A_253 = arith.constant 0 : i32
      %dma_wait3A_254 = tpu.memref_slice %arg7[%add3A_80, %dma_wait3A_253] : memref<10000x64xf32, #tpu.memory_space<vmem_shared>> -> memref<104x64xf32, #tpu.memory_space<vmem_shared>>
      %dma_wait3A_255 = arith.constant 0 : i32
      %dma_wait3A_256 = arith.constant 0 : i32
      %dma_wait3A_257 = tpu.memref_slice %arg11[%run_scoped3A_81, %dma_wait3A_255, %dma_wait3A_256] : memref<3x128x64xf32, #tpu.memory_space<vmem>> -> memref<1x104x64xf32, #tpu.memory_space<vmem>>
      %dma_wait3A_258 = tpu.memref_squeeze %dma_wait3A_257 : memref<1x104x64xf32, #tpu.memory_space<vmem>> -> memref<104x64xf32, #tpu.memory_space<vmem>>
      %dma_wait3A_259 = arith.constant 0 : i32
      %dma_wait3A_260 = tpu.memref_slice %arg7[%add3A_80, %dma_wait3A_259] : memref<10000x64xf32, #tpu.memory_space<vmem_shared>> -> memref<104x64xf32, #tpu.memory_space<vmem_shared>>
      tpu.wait_dma2 semaphore(%run_scoped3A_236 : memref<!tpu.dma_semaphore, #tpu.memory_space<semaphore_mem>>) src(%dma_wait3A_260 : memref<104x64xf32, #tpu.memory_space<vmem_shared>>) dst(%dma_wait3A_258 : memref<104x64xf32, #tpu.memory_space<vmem>>)
      tpu.yield
    }) : () -> ()
    %scan3A_82 = arith.constant 0 : i32
    %scan3A_83 = arith.constant 0 : i32
    %scan3A_84 = arith.constant 104 : i32
    %scan3A_85 = arith.addi %scan3A_83, %scan3A_84 : i32
    %scan3A_86 = arith.constant 1 : i32
    scf.for %scan3A_236 = %scan3A_83 to %scan3A_85 step %scan3A_86  : i32 {
      %get3A_237 = arith.constant 2 : i32
      %get3A_238 = arith.index_cast %get3A_237 : i32 to index
      %get3A_239 = arith.index_cast %scan3A_236 : i32 to index
      %get3A_240 = arith.constant 0 : index
      %get3A_241 = tpu.vector_load %arg11[%get3A_238, %get3A_239, %get3A_240] {strides = array<i32>} : memref<3x128x64xf32, #tpu.memory_space<vmem>>, vector<1x1x16xf32>,
      %get3A_242 = vector.shape_cast %get3A_241 : vector<1x1x16xf32> to vector<16xf32>
      %mul3A_243 = arith.mulf %get3A_242, %add3A_26 : vector<16xf32>
      %swap3A = arith.constant 2 : i32
      %swap3A_244 = arith.index_cast %swap3A : i32 to index
      %swap3A_245 = arith.index_cast %scan3A_236 : i32 to index
      %swap3A_246 = arith.constant 0 : index
      %swap3A_247 = tpu.vector_load %arg11[%swap3A_244, %swap3A_245, %swap3A_246] {strides = array<i32>} : memref<3x128x64xf32, #tpu.memory_space<vmem>>, vector<1x1x16xf32>,
      %swap3A_248 = vector.shape_cast %swap3A_247 : vector<1x1x16xf32> to vector<16xf32>
      %swap3A_249 = vector.shape_cast %mul3A_243 : vector<16xf32> to vector<1x1x16xf32>
      tpu.vector_store %arg11[%swap3A_244, %swap3A_245, %swap3A_246], %swap3A_249 {strides = array<i32>} : memref<3x128x64xf32, #tpu.memory_space<vmem>>, vector<1x1x16xf32>,
      %get3A_250 = arith.constant 2 : i32
      %get3A_251 = arith.index_cast %get3A_250 : i32 to index
      %get3A_252 = arith.index_cast %scan3A_236 : i32 to index
      %get3A_253 = arith.constant 16 : index
      %get3A_254 = tpu.vector_load %arg11[%get3A_251, %get3A_252, %get3A_253] {strides = array<i32>} : memref<3x128x64xf32, #tpu.memory_space<vmem>>, vector<1x1x16xf32>,
      %get3A_255 = vector.shape_cast %get3A_254 : vector<1x1x16xf32> to vector<16xf32>
      %mul3A_256 = arith.mulf %get3A_255, %add3A_26 : vector<16xf32>
      %swap3A_257 = arith.constant 2 : i32
      %swap3A_258 = arith.index_cast %swap3A_257 : i32 to index
      %swap3A_259 = arith.index_cast %scan3A_236 : i32 to index
      %swap3A_260 = arith.constant 16 : index
      %swap3A_261 = tpu.vector_load %arg11[%swap3A_258, %swap3A_259, %swap3A_260] {strides = array<i32>} : memref<3x128x64xf32, #tpu.memory_space<vmem>>, vector<1x1x16xf32>,
      %swap3A_262 = vector.shape_cast %swap3A_261 : vector<1x1x16xf32> to vector<16xf32>
      %swap3A_263 = vector.shape_cast %mul3A_256 : vector<16xf32> to vector<1x1x16xf32>
      tpu.vector_store %arg11[%swap3A_258, %swap3A_259, %swap3A_260], %swap3A_263 {strides = array<i32>} : memref<3x128x64xf32, #tpu.memory_space<vmem>>, vector<1x1x16xf32>,
      %get3A_264 = arith.constant 2 : i32
      %get3A_265 = arith.index_cast %get3A_264 : i32 to index
      %get3A_266 = arith.index_cast %scan3A_236 : i32 to index
      %get3A_267 = arith.constant 32 : index
      %get3A_268 = tpu.vector_load %arg11[%get3A_265, %get3A_266, %get3A_267] {strides = array<i32>} : memref<3x128x64xf32, #tpu.memory_space<vmem>>, vector<1x1x16xf32>,
      %get3A_269 = vector.shape_cast %get3A_268 : vector<1x1x16xf32> to vector<16xf32>
      %mul3A_270 = arith.mulf %get3A_269, %add3A_26 : vector<16xf32>
      %swap3A_271 = arith.constant 2 : i32
      %swap3A_272 = arith.index_cast %swap3A_271 : i32 to index
      %swap3A_273 = arith.index_cast %scan3A_236 : i32 to index
      %swap3A_274 = arith.constant 32 : index
      %swap3A_275 = tpu.vector_load %arg11[%swap3A_272, %swap3A_273, %swap3A_274] {strides = array<i32>} : memref<3x128x64xf32, #tpu.memory_space<vmem>>, vector<1x1x16xf32>,
      %swap3A_276 = vector.shape_cast %swap3A_275 : vector<1x1x16xf32> to vector<16xf32>
      %swap3A_277 = vector.shape_cast %mul3A_270 : vector<16xf32> to vector<1x1x16xf32>
      tpu.vector_store %arg11[%swap3A_272, %swap3A_273, %swap3A_274], %swap3A_277 {strides = array<i32>} : memref<3x128x64xf32, #tpu.memory_space<vmem>>, vector<1x1x16xf32>,
      %get3A_278 = arith.constant 2 : i32
      %get3A_279 = arith.index_cast %get3A_278 : i32 to index
      %get3A_280 = arith.index_cast %scan3A_236 : i32 to index
      %get3A_281 = arith.constant 48 : index
      %get3A_282 = tpu.vector_load %arg11[%get3A_279, %get3A_280, %get3A_281] {strides = array<i32>} : memref<3x128x64xf32, #tpu.memory_space<vmem>>, vector<1x1x16xf32>,
      %get3A_283 = vector.shape_cast %get3A_282 : vector<1x1x16xf32> to vector<16xf32>
      %mul3A_284 = arith.mulf %get3A_283, %add3A_26 : vector<16xf32>
      %swap3A_285 = arith.constant 2 : i32
      %swap3A_286 = arith.index_cast %swap3A_285 : i32 to index
      %swap3A_287 = arith.index_cast %scan3A_236 : i32 to index
      %swap3A_288 = arith.constant 48 : index
      %swap3A_289 = tpu.vector_load %arg11[%swap3A_286, %swap3A_287, %swap3A_288] {strides = array<i32>} : memref<3x128x64xf32, #tpu.memory_space<vmem>>, vector<1x1x16xf32>,
      %swap3A_290 = vector.shape_cast %swap3A_289 : vector<1x1x16xf32> to vector<16xf32>
      %swap3A_291 = vector.shape_cast %mul3A_284 : vector<16xf32> to vector<1x1x16xf32>
      tpu.vector_store %arg11[%swap3A_286, %swap3A_287, %swap3A_288], %swap3A_291 {strides = array<i32>} : memref<3x128x64xf32, #tpu.memory_space<vmem>>, vector<1x1x16xf32>,
    }
    %scan3A_87 = arith.constant 104 : i32
    %run_scoped3A_88 = arith.constant 2 : i32
    "tpu.region"() ({
      %run_scoped3A_236 = tpu.sem_alloc : memref<!tpu.dma_semaphore, #tpu.memory_space<semaphore_mem>>
      %dma_start3A_237 = arith.constant 0 : i32
      %dma_start3A_238 = arith.constant 0 : i32
      %dma_start3A_239 = tpu.memref_slice %arg11[%run_scoped3A_88, %dma_start3A_237, %dma_start3A_238] : memref<3x128x64xf32, #tpu.memory_space<vmem>> -> memref<1x104x64xf32, #tpu.memory_space<vmem>>
      %dma_start3A_240 = tpu.memref_squeeze %dma_start3A_239 : memref<1x104x64xf32, #tpu.memory_space<vmem>> -> memref<104x64xf32, #tpu.memory_space<vmem>>
      %dma_start3A_241 = arith.constant 0 : i32
      %dma_start3A_242 = tpu.memref_slice %arg8[%add3A_80, %dma_start3A_241] : memref<10008x64xf32, #tpu.memory_space<vmem_shared>> -> memref<104x64xf32, #tpu.memory_space<vmem_shared>>
      %dma_start3A_243 = arith.constant 0 : i32
      %dma_start3A_244 = tpu.memref_slice %arg8[%add3A_80, %dma_start3A_243] : memref<10008x64xf32, #tpu.memory_space<vmem_shared>> -> memref<104x64xf32, #tpu.memory_space<vmem_shared>>
      %dma_start3A_245 = arith.constant 0 : i32
      %dma_start3A_246 = arith.constant 0 : i32
      %dma_start3A_247 = tpu.memref_slice %arg11[%run_scoped3A_88, %dma_start3A_245, %dma_start3A_246] : memref<3x128x64xf32, #tpu.memory_space<vmem>> -> memref<1x104x64xf32, #tpu.memory_space<vmem>>
      %dma_start3A_248 = tpu.memref_squeeze %dma_start3A_247 : memref<1x104x64xf32, #tpu.memory_space<vmem>> -> memref<104x64xf32, #tpu.memory_space<vmem>>
      tpu.enqueue_dma source(%dma_start3A_248 : memref<104x64xf32, #tpu.memory_space<vmem>>) target(%dma_start3A_244 : memref<104x64xf32, #tpu.memory_space<vmem_shared>>) target_semaphore(%run_scoped3A_236 : memref<!tpu.dma_semaphore, #tpu.memory_space<semaphore_mem>>)
      %dma_wait3A_249 = arith.constant 0 : i32
      %dma_wait3A_250 = arith.constant 0 : i32
      %dma_wait3A_251 = tpu.memref_slice %arg11[%run_scoped3A_88, %dma_wait3A_249, %dma_wait3A_250] : memref<3x128x64xf32, #tpu.memory_space<vmem>> -> memref<1x104x64xf32, #tpu.memory_space<vmem>>
      %dma_wait3A_252 = tpu.memref_squeeze %dma_wait3A_251 : memref<1x104x64xf32, #tpu.memory_space<vmem>> -> memref<104x64xf32, #tpu.memory_space<vmem>>
      %dma_wait3A_253 = arith.constant 0 : i32
      %dma_wait3A_254 = tpu.memref_slice %arg8[%add3A_80, %dma_wait3A_253] : memref<10008x64xf32, #tpu.memory_space<vmem_shared>> -> memref<104x64xf32, #tpu.memory_space<vmem_shared>>
      %dma_wait3A_255 = arith.constant 0 : i32
      %dma_wait3A_256 = tpu.memref_slice %arg8[%add3A_80, %dma_wait3A_255] : memref<10008x64xf32, #tpu.memory_space<vmem_shared>> -> memref<104x64xf32, #tpu.memory_space<vmem_shared>>
      %dma_wait3A_257 = arith.constant 0 : i32
      %dma_wait3A_258 = arith.constant 0 : i32
      %dma_wait3A_259 = tpu.memref_slice %arg11[%run_scoped3A_88, %dma_wait3A_257, %dma_wait3A_258] : memref<3x128x64xf32, #tpu.memory_space<vmem>> -> memref<1x104x64xf32, #tpu.memory_space<vmem>>
      %dma_wait3A_260 = tpu.memref_squeeze %dma_wait3A_259 : memref<1x104x64xf32, #tpu.memory_space<vmem>> -> memref<104x64xf32, #tpu.memory_space<vmem>>
      tpu.wait_dma2 semaphore(%run_scoped3A_236 : memref<!tpu.dma_semaphore, #tpu.memory_space<semaphore_mem>>) src(%dma_wait3A_260 : memref<104x64xf32, #tpu.memory_space<vmem>>) dst(%dma_wait3A_256 : memref<104x64xf32, #tpu.memory_space<vmem_shared>>)
      tpu.yield
    }) : () -> ()
    %mul3A_89 = arith.constant 624 : i32
    %mul3A_90 = arith.muli %arg1, %mul3A_89 : i32
    %add3A_91 = arith.constant 520 : i32
    %add3A_92 = arith.addi %mul3A_90, %add3A_91 : i32
    %run_scoped3A_93 = arith.constant 2 : i32
    "tpu.region"() ({
      %run_scoped3A_236 = tpu.sem_alloc : memref<!tpu.dma_semaphore, #tpu.memory_space<semaphore_mem>>
      %dma_start3A_237 = arith.constant 0 : i32
      %dma_start3A_238 = arith.constant 0 : i32
      %dma_start3A_239 = tpu.memref_slice %arg11[%run_scoped3A_93, %dma_start3A_237, %dma_start3A_238] : memref<3x128x64xf32, #tpu.memory_space<vmem>> -> memref<1x104x64xf32, #tpu.memory_space<vmem>>
      %dma_start3A_240 = tpu.memref_squeeze %dma_start3A_239 : memref<1x104x64xf32, #tpu.memory_space<vmem>> -> memref<104x64xf32, #tpu.memory_space<vmem>>
      %dma_start3A_241 = arith.constant 0 : i32
      %dma_start3A_242 = tpu.memref_slice %arg7[%add3A_92, %dma_start3A_241] : memref<10000x64xf32, #tpu.memory_space<vmem_shared>> -> memref<104x64xf32, #tpu.memory_space<vmem_shared>>
      %dma_start3A_243 = arith.constant 0 : i32
      %dma_start3A_244 = arith.constant 0 : i32
      %dma_start3A_245 = tpu.memref_slice %arg11[%run_scoped3A_93, %dma_start3A_243, %dma_start3A_244] : memref<3x128x64xf32, #tpu.memory_space<vmem>> -> memref<1x104x64xf32, #tpu.memory_space<vmem>>
      %dma_start3A_246 = tpu.memref_squeeze %dma_start3A_245 : memref<1x104x64xf32, #tpu.memory_space<vmem>> -> memref<104x64xf32, #tpu.memory_space<vmem>>
      %dma_start3A_247 = arith.constant 0 : i32
      %dma_start3A_248 = tpu.memref_slice %arg7[%add3A_92, %dma_start3A_247] : memref<10000x64xf32, #tpu.memory_space<vmem_shared>> -> memref<104x64xf32, #tpu.memory_space<vmem_shared>>
      tpu.enqueue_dma source(%dma_start3A_248 : memref<104x64xf32, #tpu.memory_space<vmem_shared>>) target(%dma_start3A_246 : memref<104x64xf32, #tpu.memory_space<vmem>>) target_semaphore(%run_scoped3A_236 : memref<!tpu.dma_semaphore, #tpu.memory_space<semaphore_mem>>)
      %dma_wait3A_249 = arith.constant 0 : i32
      %dma_wait3A_250 = arith.constant 0 : i32
      %dma_wait3A_251 = tpu.memref_slice %arg11[%run_scoped3A_93, %dma_wait3A_249, %dma_wait3A_250] : memref<3x128x64xf32, #tpu.memory_space<vmem>> -> memref<1x104x64xf32, #tpu.memory_space<vmem>>
      %dma_wait3A_252 = tpu.memref_squeeze %dma_wait3A_251 : memref<1x104x64xf32, #tpu.memory_space<vmem>> -> memref<104x64xf32, #tpu.memory_space<vmem>>
      %dma_wait3A_253 = arith.constant 0 : i32
      %dma_wait3A_254 = tpu.memref_slice %arg7[%add3A_92, %dma_wait3A_253] : memref<10000x64xf32, #tpu.memory_space<vmem_shared>> -> memref<104x64xf32, #tpu.memory_space<vmem_shared>>
      %dma_wait3A_255 = arith.constant 0 : i32
      %dma_wait3A_256 = arith.constant 0 : i32
      %dma_wait3A_257 = tpu.memref_slice %arg11[%run_scoped3A_93, %dma_wait3A_255, %dma_wait3A_256] : memref<3x128x64xf32, #tpu.memory_space<vmem>> -> memref<1x104x64xf32, #tpu.memory_space<vmem>>
      %dma_wait3A_258 = tpu.memref_squeeze %dma_wait3A_257 : memref<1x104x64xf32, #tpu.memory_space<vmem>> -> memref<104x64xf32, #tpu.memory_space<vmem>>
      %dma_wait3A_259 = arith.constant 0 : i32
      %dma_wait3A_260 = tpu.memref_slice %arg7[%add3A_92, %dma_wait3A_259] : memref<10000x64xf32, #tpu.memory_space<vmem_shared>> -> memref<104x64xf32, #tpu.memory_space<vmem_shared>>
      tpu.wait_dma2 semaphore(%run_scoped3A_236 : memref<!tpu.dma_semaphore, #tpu.memory_space<semaphore_mem>>) src(%dma_wait3A_260 : memref<104x64xf32, #tpu.memory_space<vmem_shared>>) dst(%dma_wait3A_258 : memref<104x64xf32, #tpu.memory_space<vmem>>)
      tpu.yield
    }) : () -> ()
    %scan3A_94 = arith.constant 0 : i32
    %scan3A_95 = arith.constant 0 : i32
    %scan3A_96 = arith.constant 104 : i32
    %scan3A_97 = arith.addi %scan3A_95, %scan3A_96 : i32
    %scan3A_98 = arith.constant 1 : i32
    scf.for %scan3A_236 = %scan3A_95 to %scan3A_97 step %scan3A_98  : i32 {
      %get3A_237 = arith.constant 2 : i32
      %get3A_238 = arith.index_cast %get3A_237 : i32 to index
      %get3A_239 = arith.index_cast %scan3A_236 : i32 to index
      %get3A_240 = arith.constant 0 : index
      %get3A_241 = tpu.vector_load %arg11[%get3A_238, %get3A_239, %get3A_240] {strides = array<i32>} : memref<3x128x64xf32, #tpu.memory_space<vmem>>, vector<1x1x16xf32>,
      %get3A_242 = vector.shape_cast %get3A_241 : vector<1x1x16xf32> to vector<16xf32>
      %mul3A_243 = arith.mulf %get3A_242, %add3A_26 : vector<16xf32>
      %swap3A = arith.constant 2 : i32
      %swap3A_244 = arith.index_cast %swap3A : i32 to index
      %swap3A_245 = arith.index_cast %scan3A_236 : i32 to index
      %swap3A_246 = arith.constant 0 : index
      %swap3A_247 = tpu.vector_load %arg11[%swap3A_244, %swap3A_245, %swap3A_246] {strides = array<i32>} : memref<3x128x64xf32, #tpu.memory_space<vmem>>, vector<1x1x16xf32>,
      %swap3A_248 = vector.shape_cast %swap3A_247 : vector<1x1x16xf32> to vector<16xf32>
      %swap3A_249 = vector.shape_cast %mul3A_243 : vector<16xf32> to vector<1x1x16xf32>
      tpu.vector_store %arg11[%swap3A_244, %swap3A_245, %swap3A_246], %swap3A_249 {strides = array<i32>} : memref<3x128x64xf32, #tpu.memory_space<vmem>>, vector<1x1x16xf32>,
      %get3A_250 = arith.constant 2 : i32
      %get3A_251 = arith.index_cast %get3A_250 : i32 to index
      %get3A_252 = arith.index_cast %scan3A_236 : i32 to index
      %get3A_253 = arith.constant 16 : index
      %get3A_254 = tpu.vector_load %arg11[%get3A_251, %get3A_252, %get3A_253] {strides = array<i32>} : memref<3x128x64xf32, #tpu.memory_space<vmem>>, vector<1x1x16xf32>,
      %get3A_255 = vector.shape_cast %get3A_254 : vector<1x1x16xf32> to vector<16xf32>
      %mul3A_256 = arith.mulf %get3A_255, %add3A_26 : vector<16xf32>
      %swap3A_257 = arith.constant 2 : i32
      %swap3A_258 = arith.index_cast %swap3A_257 : i32 to index
      %swap3A_259 = arith.index_cast %scan3A_236 : i32 to index
      %swap3A_260 = arith.constant 16 : index
      %swap3A_261 = tpu.vector_load %arg11[%swap3A_258, %swap3A_259, %swap3A_260] {strides = array<i32>} : memref<3x128x64xf32, #tpu.memory_space<vmem>>, vector<1x1x16xf32>,
      %swap3A_262 = vector.shape_cast %swap3A_261 : vector<1x1x16xf32> to vector<16xf32>
      %swap3A_263 = vector.shape_cast %mul3A_256 : vector<16xf32> to vector<1x1x16xf32>
      tpu.vector_store %arg11[%swap3A_258, %swap3A_259, %swap3A_260], %swap3A_263 {strides = array<i32>} : memref<3x128x64xf32, #tpu.memory_space<vmem>>, vector<1x1x16xf32>,
      %get3A_264 = arith.constant 2 : i32
      %get3A_265 = arith.index_cast %get3A_264 : i32 to index
      %get3A_266 = arith.index_cast %scan3A_236 : i32 to index
      %get3A_267 = arith.constant 32 : index
      %get3A_268 = tpu.vector_load %arg11[%get3A_265, %get3A_266, %get3A_267] {strides = array<i32>} : memref<3x128x64xf32, #tpu.memory_space<vmem>>, vector<1x1x16xf32>,
      %get3A_269 = vector.shape_cast %get3A_268 : vector<1x1x16xf32> to vector<16xf32>
      %mul3A_270 = arith.mulf %get3A_269, %add3A_26 : vector<16xf32>
      %swap3A_271 = arith.constant 2 : i32
      %swap3A_272 = arith.index_cast %swap3A_271 : i32 to index
      %swap3A_273 = arith.index_cast %scan3A_236 : i32 to index
      %swap3A_274 = arith.constant 32 : index
      %swap3A_275 = tpu.vector_load %arg11[%swap3A_272, %swap3A_273, %swap3A_274] {strides = array<i32>} : memref<3x128x64xf32, #tpu.memory_space<vmem>>, vector<1x1x16xf32>,
      %swap3A_276 = vector.shape_cast %swap3A_275 : vector<1x1x16xf32> to vector<16xf32>
      %swap3A_277 = vector.shape_cast %mul3A_270 : vector<16xf32> to vector<1x1x16xf32>
      tpu.vector_store %arg11[%swap3A_272, %swap3A_273, %swap3A_274], %swap3A_277 {strides = array<i32>} : memref<3x128x64xf32, #tpu.memory_space<vmem>>, vector<1x1x16xf32>,
      %get3A_278 = arith.constant 2 : i32
      %get3A_279 = arith.index_cast %get3A_278 : i32 to index
      %get3A_280 = arith.index_cast %scan3A_236 : i32 to index
      %get3A_281 = arith.constant 48 : index
      %get3A_282 = tpu.vector_load %arg11[%get3A_279, %get3A_280, %get3A_281] {strides = array<i32>} : memref<3x128x64xf32, #tpu.memory_space<vmem>>, vector<1x1x16xf32>,
      %get3A_283 = vector.shape_cast %get3A_282 : vector<1x1x16xf32> to vector<16xf32>
      %mul3A_284 = arith.mulf %get3A_283, %add3A_26 : vector<16xf32>
      %swap3A_285 = arith.constant 2 : i32
      %swap3A_286 = arith.index_cast %swap3A_285 : i32 to index
      %swap3A_287 = arith.index_cast %scan3A_236 : i32 to index
      %swap3A_288 = arith.constant 48 : index
      %swap3A_289 = tpu.vector_load %arg11[%swap3A_286, %swap3A_287, %swap3A_288] {strides = array<i32>} : memref<3x128x64xf32, #tpu.memory_space<vmem>>, vector<1x1x16xf32>,
      %swap3A_290 = vector.shape_cast %swap3A_289 : vector<1x1x16xf32> to vector<16xf32>
      %swap3A_291 = vector.shape_cast %mul3A_284 : vector<16xf32> to vector<1x1x16xf32>
      tpu.vector_store %arg11[%swap3A_286, %swap3A_287, %swap3A_288], %swap3A_291 {strides = array<i32>} : memref<3x128x64xf32, #tpu.memory_space<vmem>>, vector<1x1x16xf32>,
    }
    %scan3A_99 = arith.constant 104 : i32
    %run_scoped3A_100 = arith.constant 2 : i32
    "tpu.region"() ({
      %run_scoped3A_236 = tpu.sem_alloc : memref<!tpu.dma_semaphore, #tpu.memory_space<semaphore_mem>>
      %dma_start3A_237 = arith.constant 0 : i32
      %dma_start3A_238 = arith.constant 0 : i32
      %dma_start3A_239 = tpu.memref_slice %arg11[%run_scoped3A_100, %dma_start3A_237, %dma_start3A_238] : memref<3x128x64xf32, #tpu.memory_space<vmem>> -> memref<1x104x64xf32, #tpu.memory_space<vmem>>
      %dma_start3A_240 = tpu.memref_squeeze %dma_start3A_239 : memref<1x104x64xf32, #tpu.memory_space<vmem>> -> memref<104x64xf32, #tpu.memory_space<vmem>>
      %dma_start3A_241 = arith.constant 0 : i32
      %dma_start3A_242 = tpu.memref_slice %arg8[%add3A_92, %dma_start3A_241] : memref<10008x64xf32, #tpu.memory_space<vmem_shared>> -> memref<104x64xf32, #tpu.memory_space<vmem_shared>>
      %dma_start3A_243 = arith.constant 0 : i32
      %dma_start3A_244 = tpu.memref_slice %arg8[%add3A_92, %dma_start3A_243] : memref<10008x64xf32, #tpu.memory_space<vmem_shared>> -> memref<104x64xf32, #tpu.memory_space<vmem_shared>>
      %dma_start3A_245 = arith.constant 0 : i32
      %dma_start3A_246 = arith.constant 0 : i32
      %dma_start3A_247 = tpu.memref_slice %arg11[%run_scoped3A_100, %dma_start3A_245, %dma_start3A_246] : memref<3x128x64xf32, #tpu.memory_space<vmem>> -> memref<1x104x64xf32, #tpu.memory_space<vmem>>
      %dma_start3A_248 = tpu.memref_squeeze %dma_start3A_247 : memref<1x104x64xf32, #tpu.memory_space<vmem>> -> memref<104x64xf32, #tpu.memory_space<vmem>>
      tpu.enqueue_dma source(%dma_start3A_248 : memref<104x64xf32, #tpu.memory_space<vmem>>) target(%dma_start3A_244 : memref<104x64xf32, #tpu.memory_space<vmem_shared>>) target_semaphore(%run_scoped3A_236 : memref<!tpu.dma_semaphore, #tpu.memory_space<semaphore_mem>>)
      %dma_wait3A_249 = arith.constant 0 : i32
      %dma_wait3A_250 = arith.constant 0 : i32
      %dma_wait3A_251 = tpu.memref_slice %arg11[%run_scoped3A_100, %dma_wait3A_249, %dma_wait3A_250] : memref<3x128x64xf32, #tpu.memory_space<vmem>> -> memref<1x104x64xf32, #tpu.memory_space<vmem>>
      %dma_wait3A_252 = tpu.memref_squeeze %dma_wait3A_251 : memref<1x104x64xf32, #tpu.memory_space<vmem>> -> memref<104x64xf32, #tpu.memory_space<vmem>>
      %dma_wait3A_253 = arith.constant 0 : i32
      %dma_wait3A_254 = tpu.memref_slice %arg8[%add3A_92, %dma_wait3A_253] : memref<10008x64xf32, #tpu.memory_space<vmem_shared>> -> memref<104x64xf32, #tpu.memory_space<vmem_shared>>
      %dma_wait3A_255 = arith.constant 0 : i32
      %dma_wait3A_256 = tpu.memref_slice %arg8[%add3A_92, %dma_wait3A_255] : memref<10008x64xf32, #tpu.memory_space<vmem_shared>> -> memref<104x64xf32, #tpu.memory_space<vmem_shared>>
      %dma_wait3A_257 = arith.constant 0 : i32
      %dma_wait3A_258 = arith.constant 0 : i32
      %dma_wait3A_259 = tpu.memref_slice %arg11[%run_scoped3A_100, %dma_wait3A_257, %dma_wait3A_258] : memref<3x128x64xf32, #tpu.memory_space<vmem>> -> memref<1x104x64xf32, #tpu.memory_space<vmem>>
      %dma_wait3A_260 = tpu.memref_squeeze %dma_wait3A_259 : memref<1x104x64xf32, #tpu.memory_space<vmem>> -> memref<104x64xf32, #tpu.memory_space<vmem>>
      tpu.wait_dma2 semaphore(%run_scoped3A_236 : memref<!tpu.dma_semaphore, #tpu.memory_space<semaphore_mem>>) src(%dma_wait3A_260 : memref<104x64xf32, #tpu.memory_space<vmem>>) dst(%dma_wait3A_256 : memref<104x64xf32, #tpu.memory_space<vmem_shared>>)
      tpu.yield
    }) : () -> ()
    %eq3A_101 = arith.constant 15 : i32
    %eq3A_102 = arith.cmpi eq, %arg1, %eq3A_101 : i32
    %convert_element_type3A_103 = arith.extui %eq3A_102 : i1 to i32
    %cond3A_104 = arith.constant 0 : i32
    %cond3A_105 = arith.cmpi ne, %convert_element_type3A_103, %cond3A_104 : i32
    scf.if %cond3A_105 {
      %run_scoped3A_236 = arith.constant 2 : i32
      "tpu.region"() ({
        %run_scoped3A_244 = tpu.sem_alloc : memref<!tpu.dma_semaphore, #tpu.memory_space<semaphore_mem>>
        %dma_start3A_245 = arith.constant 0 : i32
        %dma_start3A_246 = arith.constant 0 : i32
        %dma_start3A_247 = tpu.memref_slice %arg11[%run_scoped3A_236, %dma_start3A_245, %dma_start3A_246] : memref<3x128x64xf32, #tpu.memory_space<vmem>> -> memref<1x16x64xf32, #tpu.memory_space<vmem>>
        %dma_start3A_248 = tpu.memref_squeeze %dma_start3A_247 : memref<1x16x64xf32, #tpu.memory_space<vmem>> -> memref<16x64xf32, #tpu.memory_space<vmem>>
        %dma_start3A_249 = arith.constant 9984 : i32
        %dma_start3A_250 = arith.constant 0 : i32
        %dma_start3A_251 = tpu.memref_slice %arg7[%dma_start3A_249, %dma_start3A_250] : memref<10000x64xf32, #tpu.memory_space<vmem_shared>> -> memref<16x64xf32, #tpu.memory_space<vmem_shared>>
        %dma_start3A_252 = arith.constant 0 : i32
        %dma_start3A_253 = arith.constant 0 : i32
        %dma_start3A_254 = tpu.memref_slice %arg11[%run_scoped3A_236, %dma_start3A_252, %dma_start3A_253] : memref<3x128x64xf32, #tpu.memory_space<vmem>> -> memref<1x16x64xf32, #tpu.memory_space<vmem>>
        %dma_start3A_255 = tpu.memref_squeeze %dma_start3A_254 : memref<1x16x64xf32, #tpu.memory_space<vmem>> -> memref<16x64xf32, #tpu.memory_space<vmem>>
        %dma_start3A_256 = arith.constant 9984 : i32
        %dma_start3A_257 = arith.constant 0 : i32
        %dma_start3A_258 = tpu.memref_slice %arg7[%dma_start3A_256, %dma_start3A_257] : memref<10000x64xf32, #tpu.memory_space<vmem_shared>> -> memref<16x64xf32, #tpu.memory_space<vmem_shared>>
        tpu.enqueue_dma source(%dma_start3A_258 : memref<16x64xf32, #tpu.memory_space<vmem_shared>>) target(%dma_start3A_255 : memref<16x64xf32, #tpu.memory_space<vmem>>) target_semaphore(%run_scoped3A_244 : memref<!tpu.dma_semaphore, #tpu.memory_space<semaphore_mem>>)
        %dma_wait3A_259 = arith.constant 0 : i32
        %dma_wait3A_260 = arith.constant 0 : i32
        %dma_wait3A_261 = tpu.memref_slice %arg11[%run_scoped3A_236, %dma_wait3A_259, %dma_wait3A_260] : memref<3x128x64xf32, #tpu.memory_space<vmem>> -> memref<1x16x64xf32, #tpu.memory_space<vmem>>
        %dma_wait3A_262 = tpu.memref_squeeze %dma_wait3A_261 : memref<1x16x64xf32, #tpu.memory_space<vmem>> -> memref<16x64xf32, #tpu.memory_space<vmem>>
        %dma_wait3A_263 = arith.constant 9984 : i32
        %dma_wait3A_264 = arith.constant 0 : i32
        %dma_wait3A_265 = tpu.memref_slice %arg7[%dma_wait3A_263, %dma_wait3A_264] : memref<10000x64xf32, #tpu.memory_space<vmem_shared>> -> memref<16x64xf32, #tpu.memory_space<vmem_shared>>
        %dma_wait3A_266 = arith.constant 0 : i32
        %dma_wait3A_267 = arith.constant 0 : i32
        %dma_wait3A_268 = tpu.memref_slice %arg11[%run_scoped3A_236, %dma_wait3A_266, %dma_wait3A_267] : memref<3x128x64xf32, #tpu.memory_space<vmem>> -> memref<1x16x64xf32, #tpu.memory_space<vmem>>
        %dma_wait3A_269 = tpu.memref_squeeze %dma_wait3A_268 : memref<1x16x64xf32, #tpu.memory_space<vmem>> -> memref<16x64xf32, #tpu.memory_space<vmem>>
        %dma_wait3A_270 = arith.constant 9984 : i32
        %dma_wait3A_271 = arith.constant 0 : i32
        %dma_wait3A_272 = tpu.memref_slice %arg7[%dma_wait3A_270, %dma_wait3A_271] : memref<10000x64xf32, #tpu.memory_space<vmem_shared>> -> memref<16x64xf32, #tpu.memory_space<vmem_shared>>
        tpu.wait_dma2 semaphore(%run_scoped3A_244 : memref<!tpu.dma_semaphore, #tpu.memory_space<semaphore_mem>>) src(%dma_wait3A_272 : memref<16x64xf32, #tpu.memory_space<vmem_shared>>) dst(%dma_wait3A_269 : memref<16x64xf32, #tpu.memory_space<vmem>>)
        tpu.yield
      }) : () -> ()
      %scan3A_237 = arith.constant 0 : i32
      %scan3A_238 = arith.constant 0 : i32
      %scan3A_239 = arith.constant 16 : i32
      %scan3A_240 = arith.addi %scan3A_238, %scan3A_239 : i32
      %scan3A_241 = arith.constant 1 : i32
      scf.for %scan3A_244 = %scan3A_238 to %scan3A_240 step %scan3A_241  : i32 {
        %get3A_245 = arith.constant 2 : i32
        %get3A_246 = arith.index_cast %get3A_245 : i32 to index
        %get3A_247 = arith.index_cast %scan3A_244 : i32 to index
        %get3A_248 = arith.constant 0 : index
        %get3A_249 = tpu.vector_load %arg11[%get3A_246, %get3A_247, %get3A_248] {strides = array<i32>} : memref<3x128x64xf32, #tpu.memory_space<vmem>>, vector<1x1x16xf32>,
        %get3A_250 = vector.shape_cast %get3A_249 : vector<1x1x16xf32> to vector<16xf32>
        %mul3A_251 = arith.mulf %get3A_250, %add3A_26 : vector<16xf32>
        %swap3A = arith.constant 2 : i32
        %swap3A_252 = arith.index_cast %swap3A : i32 to index
        %swap3A_253 = arith.index_cast %scan3A_244 : i32 to index
        %swap3A_254 = arith.constant 0 : index
        %swap3A_255 = tpu.vector_load %arg11[%swap3A_252, %swap3A_253, %swap3A_254] {strides = array<i32>} : memref<3x128x64xf32, #tpu.memory_space<vmem>>, vector<1x1x16xf32>,
        %swap3A_256 = vector.shape_cast %swap3A_255 : vector<1x1x16xf32> to vector<16xf32>
        %swap3A_257 = vector.shape_cast %mul3A_251 : vector<16xf32> to vector<1x1x16xf32>
        tpu.vector_store %arg11[%swap3A_252, %swap3A_253, %swap3A_254], %swap3A_257 {strides = array<i32>} : memref<3x128x64xf32, #tpu.memory_space<vmem>>, vector<1x1x16xf32>,
        %get3A_258 = arith.constant 2 : i32
        %get3A_259 = arith.index_cast %get3A_258 : i32 to index
        %get3A_260 = arith.index_cast %scan3A_244 : i32 to index
        %get3A_261 = arith.constant 16 : index
        %get3A_262 = tpu.vector_load %arg11[%get3A_259, %get3A_260, %get3A_261] {strides = array<i32>} : memref<3x128x64xf32, #tpu.memory_space<vmem>>, vector<1x1x16xf32>,
        %get3A_263 = vector.shape_cast %get3A_262 : vector<1x1x16xf32> to vector<16xf32>
        %mul3A_264 = arith.mulf %get3A_263, %add3A_26 : vector<16xf32>
        %swap3A_265 = arith.constant 2 : i32
        %swap3A_266 = arith.index_cast %swap3A_265 : i32 to index
        %swap3A_267 = arith.index_cast %scan3A_244 : i32 to index
        %swap3A_268 = arith.constant 16 : index
        %swap3A_269 = tpu.vector_load %arg11[%swap3A_266, %swap3A_267, %swap3A_268] {strides = array<i32>} : memref<3x128x64xf32, #tpu.memory_space<vmem>>, vector<1x1x16xf32>,
        %swap3A_270 = vector.shape_cast %swap3A_269 : vector<1x1x16xf32> to vector<16xf32>
        %swap3A_271 = vector.shape_cast %mul3A_264 : vector<16xf32> to vector<1x1x16xf32>
        tpu.vector_store %arg11[%swap3A_266, %swap3A_267, %swap3A_268], %swap3A_271 {strides = array<i32>} : memref<3x128x64xf32, #tpu.memory_space<vmem>>, vector<1x1x16xf32>,
        %get3A_272 = arith.constant 2 : i32
        %get3A_273 = arith.index_cast %get3A_272 : i32 to index
        %get3A_274 = arith.index_cast %scan3A_244 : i32 to index
        %get3A_275 = arith.constant 32 : index
        %get3A_276 = tpu.vector_load %arg11[%get3A_273, %get3A_274, %get3A_275] {strides = array<i32>} : memref<3x128x64xf32, #tpu.memory_space<vmem>>, vector<1x1x16xf32>,
        %get3A_277 = vector.shape_cast %get3A_276 : vector<1x1x16xf32> to vector<16xf32>
        %mul3A_278 = arith.mulf %get3A_277, %add3A_26 : vector<16xf32>
        %swap3A_279 = arith.constant 2 : i32
        %swap3A_280 = arith.index_cast %swap3A_279 : i32 to index
        %swap3A_281 = arith.index_cast %scan3A_244 : i32 to index
        %swap3A_282 = arith.constant 32 : index
        %swap3A_283 = tpu.vector_load %arg11[%swap3A_280, %swap3A_281, %swap3A_282] {strides = array<i32>} : memref<3x128x64xf32, #tpu.memory_space<vmem>>, vector<1x1x16xf32>,
        %swap3A_284 = vector.shape_cast %swap3A_283 : vector<1x1x16xf32> to vector<16xf32>
        %swap3A_285 = vector.shape_cast %mul3A_278 : vector<16xf32> to vector<1x1x16xf32>
        tpu.vector_store %arg11[%swap3A_280, %swap3A_281, %swap3A_282], %swap3A_285 {strides = array<i32>} : memref<3x128x64xf32, #tpu.memory_space<vmem>>, vector<1x1x16xf32>,
        %get3A_286 = arith.constant 2 : i32
        %get3A_287 = arith.index_cast %get3A_286 : i32 to index
        %get3A_288 = arith.index_cast %scan3A_244 : i32 to index
        %get3A_289 = arith.constant 48 : index
        %get3A_290 = tpu.vector_load %arg11[%get3A_287, %get3A_288, %get3A_289] {strides = array<i32>} : memref<3x128x64xf32, #tpu.memory_space<vmem>>, vector<1x1x16xf32>,
        %get3A_291 = vector.shape_cast %get3A_290 : vector<1x1x16xf32> to vector<16xf32>
        %mul3A_292 = arith.mulf %get3A_291, %add3A_26 : vector<16xf32>
        %swap3A_293 = arith.constant 2 : i32
        %swap3A_294 = arith.index_cast %swap3A_293 : i32 to index
        %swap3A_295 = arith.index_cast %scan3A_244 : i32 to index
        %swap3A_296 = arith.constant 48 : index
        %swap3A_297 = tpu.vector_load %arg11[%swap3A_294, %swap3A_295, %swap3A_296] {strides = array<i32>} : memref<3x128x64xf32, #tpu.memory_space<vmem>>, vector<1x1x16xf32>,
        %swap3A_298 = vector.shape_cast %swap3A_297 : vector<1x1x16xf32> to vector<16xf32>
        %swap3A_299 = vector.shape_cast %mul3A_292 : vector<16xf32> to vector<1x1x16xf32>
        tpu.vector_store %arg11[%swap3A_294, %swap3A_295, %swap3A_296], %swap3A_299 {strides = array<i32>} : memref<3x128x64xf32, #tpu.memory_space<vmem>>, vector<1x1x16xf32>,
      }
      %scan3A_242 = arith.constant 16 : i32
      %run_scoped3A_243 = arith.constant 2 : i32
      "tpu.region"() ({
        %run_scoped3A_244 = tpu.sem_alloc : memref<!tpu.dma_semaphore, #tpu.memory_space<semaphore_mem>>
        %dma_start3A_245 = arith.constant 0 : i32
        %dma_start3A_246 = arith.constant 0 : i32
        %dma_start3A_247 = tpu.memref_slice %arg11[%run_scoped3A_243, %dma_start3A_245, %dma_start3A_246] : memref<3x128x64xf32, #tpu.memory_space<vmem>> -> memref<1x16x64xf32, #tpu.memory_space<vmem>>
        %dma_start3A_248 = tpu.memref_squeeze %dma_start3A_247 : memref<1x16x64xf32, #tpu.memory_space<vmem>> -> memref<16x64xf32, #tpu.memory_space<vmem>>
        %dma_start3A_249 = arith.constant 9984 : i32
        %dma_start3A_250 = arith.constant 0 : i32
        %dma_start3A_251 = tpu.memref_slice %arg8[%dma_start3A_249, %dma_start3A_250] : memref<10008x64xf32, #tpu.memory_space<vmem_shared>> -> memref<16x64xf32, #tpu.memory_space<vmem_shared>>
        %dma_start3A_252 = arith.constant 9984 : i32
        %dma_start3A_253 = arith.constant 0 : i32
        %dma_start3A_254 = tpu.memref_slice %arg8[%dma_start3A_252, %dma_start3A_253] : memref<10008x64xf32, #tpu.memory_space<vmem_shared>> -> memref<16x64xf32, #tpu.memory_space<vmem_shared>>
        %dma_start3A_255 = arith.constant 0 : i32
        %dma_start3A_256 = arith.constant 0 : i32
        %dma_start3A_257 = tpu.memref_slice %arg11[%run_scoped3A_243, %dma_start3A_255, %dma_start3A_256] : memref<3x128x64xf32, #tpu.memory_space<vmem>> -> memref<1x16x64xf32, #tpu.memory_space<vmem>>
        %dma_start3A_258 = tpu.memref_squeeze %dma_start3A_257 : memref<1x16x64xf32, #tpu.memory_space<vmem>> -> memref<16x64xf32, #tpu.memory_space<vmem>>
        tpu.enqueue_dma source(%dma_start3A_258 : memref<16x64xf32, #tpu.memory_space<vmem>>) target(%dma_start3A_254 : memref<16x64xf32, #tpu.memory_space<vmem_shared>>) target_semaphore(%run_scoped3A_244 : memref<!tpu.dma_semaphore, #tpu.memory_space<semaphore_mem>>)
        %dma_wait3A_259 = arith.constant 0 : i32
        %dma_wait3A_260 = arith.constant 0 : i32
        %dma_wait3A_261 = tpu.memref_slice %arg11[%run_scoped3A_243, %dma_wait3A_259, %dma_wait3A_260] : memref<3x128x64xf32, #tpu.memory_space<vmem>> -> memref<1x16x64xf32, #tpu.memory_space<vmem>>
        %dma_wait3A_262 = tpu.memref_squeeze %dma_wait3A_261 : memref<1x16x64xf32, #tpu.memory_space<vmem>> -> memref<16x64xf32, #tpu.memory_space<vmem>>
        %dma_wait3A_263 = arith.constant 9984 : i32
        %dma_wait3A_264 = arith.constant 0 : i32
        %dma_wait3A_265 = tpu.memref_slice %arg8[%dma_wait3A_263, %dma_wait3A_264] : memref<10008x64xf32, #tpu.memory_space<vmem_shared>> -> memref<16x64xf32, #tpu.memory_space<vmem_shared>>
        %dma_wait3A_266 = arith.constant 9984 : i32
        %dma_wait3A_267 = arith.constant 0 : i32
        %dma_wait3A_268 = tpu.memref_slice %arg8[%dma_wait3A_266, %dma_wait3A_267] : memref<10008x64xf32, #tpu.memory_space<vmem_shared>> -> memref<16x64xf32, #tpu.memory_space<vmem_shared>>
        %dma_wait3A_269 = arith.constant 0 : i32
        %dma_wait3A_270 = arith.constant 0 : i32
        %dma_wait3A_271 = tpu.memref_slice %arg11[%run_scoped3A_243, %dma_wait3A_269, %dma_wait3A_270] : memref<3x128x64xf32, #tpu.memory_space<vmem>> -> memref<1x16x64xf32, #tpu.memory_space<vmem>>
        %dma_wait3A_272 = tpu.memref_squeeze %dma_wait3A_271 : memref<1x16x64xf32, #tpu.memory_space<vmem>> -> memref<16x64xf32, #tpu.memory_space<vmem>>
        tpu.wait_dma2 semaphore(%run_scoped3A_244 : memref<!tpu.dma_semaphore, #tpu.memory_space<semaphore_mem>>) src(%dma_wait3A_272 : memref<16x64xf32, #tpu.memory_space<vmem>>) dst(%dma_wait3A_268 : memref<16x64xf32, #tpu.memory_space<vmem_shared>>)
        tpu.yield
      }) : () -> ()
    } else {
    }
    %barrier3A = arith.constant 0 : index
    tpu.barrier barrier_id(%barrier3A)
    %dma_wait3A_106 = arith.constant 0 : i32
    %dma_wait3A_107 = arith.constant 0 : i32
    %dma_wait3A_108 = tpu.memref_slice %arg3[%arg1, %dma_wait3A_106, %dma_wait3A_107] : memref<16x158x128xi32, #tpu.memory_space<hbm>> -> memref<1x79x128xi32, #tpu.memory_space<hbm>>
    %dma_wait3A_109 = tpu.memref_squeeze %dma_wait3A_108 : memref<1x79x128xi32, #tpu.memory_space<hbm>> -> memref<79x128xi32, #tpu.memory_space<hbm>>
    %dma_wait3A_110 = arith.constant 0 : i32
    %dma_wait3A_111 = arith.constant 0 : i32
    %dma_wait3A_112 = tpu.memref_slice %arg3[%arg1, %dma_wait3A_110, %dma_wait3A_111] : memref<16x158x128xi32, #tpu.memory_space<hbm>> -> memref<1x79x128xi32, #tpu.memory_space<hbm>>
    %dma_wait3A_113 = tpu.memref_squeeze %dma_wait3A_112 : memref<1x79x128xi32, #tpu.memory_space<hbm>> -> memref<79x128xi32, #tpu.memory_space<hbm>>
    tpu.wait_dma2 semaphore(%arg15 : memref<!tpu.dma_semaphore, #tpu.memory_space<semaphore_mem>>) src(%dma_wait3A_113 : memref<79x128xi32, #tpu.memory_space<hbm>>) dst(%arg9 : memref<79x128xi32, #tpu.memory_space<vmem>>)
    %dma_wait3A_114 = arith.constant 0 : i32
    %dma_wait3A_115 = arith.constant 0 : i32
    %dma_wait3A_116 = tpu.memref_slice %arg4[%arg1, %dma_wait3A_114, %dma_wait3A_115] : memref<16x158x128xi32, #tpu.memory_space<hbm>> -> memref<1x79x128xi32, #tpu.memory_space<hbm>>
    %dma_wait3A_117 = tpu.memref_squeeze %dma_wait3A_116 : memref<1x79x128xi32, #tpu.memory_space<hbm>> -> memref<79x128xi32, #tpu.memory_space<hbm>>
    %dma_wait3A_118 = arith.constant 0 : i32
    %dma_wait3A_119 = arith.constant 0 : i32
    %dma_wait3A_120 = tpu.memref_slice %arg4[%arg1, %dma_wait3A_118, %dma_wait3A_119] : memref<16x158x128xi32, #tpu.memory_space<hbm>> -> memref<1x79x128xi32, #tpu.memory_space<hbm>>
    %dma_wait3A_121 = tpu.memref_squeeze %dma_wait3A_120 : memref<1x79x128xi32, #tpu.memory_space<hbm>> -> memref<79x128xi32, #tpu.memory_space<hbm>>
    tpu.wait_dma2 semaphore(%arg15 : memref<!tpu.dma_semaphore, #tpu.memory_space<semaphore_mem>>) src(%dma_wait3A_121 : memref<79x128xi32, #tpu.memory_space<hbm>>) dst(%arg10 : memref<79x128xi32, #tpu.memory_space<vmem>>)
    %dma_start3A_122 = arith.constant 0 : i32
    %dma_start3A_123 = arith.constant 0 : i32
    %dma_start3A_124 = arith.constant 0 : i32
    %dma_start3A_125 = arith.constant 0 : i32
    %dma_start3A_126 = arith.constant 0 : i32
    %dma_start3A_127 = tpu.memref_slice %arg11[%dma_start3A_123, %dma_start3A_125, %dma_start3A_126] : memref<3x128x64xf32, #tpu.memory_space<vmem>> -> memref<1x128x64xf32, #tpu.memory_space<vmem>>
    %dma_start3A_128 = tpu.memref_squeeze %dma_start3A_127 : memref<1x128x64xf32, #tpu.memory_space<vmem>> -> memref<128x64xf32, #tpu.memory_space<vmem>>
    %dma_start3A_129 = arith.constant 0 : i32
    %dma_start3A_130 = tpu.memref_slice %arg9[%dma_start3A_122, %dma_start3A_129] : memref<79x128xi32, #tpu.memory_space<vmem>> -> memref<1x128xi32, #tpu.memory_space<vmem>>
    %dma_start3A_131 = tpu.memref_squeeze %dma_start3A_130 : memref<1x128xi32, #tpu.memory_space<vmem>> -> memref<128xi32, #tpu.memory_space<vmem>>
    %dma_start3A_132 = arith.constant 0 : i32
    %dma_start3A_133 = arith.constant 0 : i32
    %dma_start3A_134 = tpu.memref_slice %arg7[%dma_start3A_132, %dma_start3A_133] : memref<10000x64xf32, #tpu.memory_space<vmem_shared>> -> memref<10000x64xf32, #tpu.memory_space<vmem_shared>>
    %dma_start3A_135 = tpu.memref_slice %arg13[%dma_start3A_124] : memref<3x!tpu.dma_semaphore, #tpu.memory_space<semaphore_mem>> -> memref<1x!tpu.dma_semaphore, #tpu.memory_space<semaphore_mem>>
    %dma_start3A_136 = tpu.memref_squeeze %dma_start3A_135 : memref<1x!tpu.dma_semaphore, #tpu.memory_space<semaphore_mem>> -> memref<!tpu.dma_semaphore, #tpu.memory_space<semaphore_mem>>
    tpu.enqueue_indirect_dma source(%dma_start3A_134 : memref<10000x64xf32, #tpu.memory_space<vmem_shared>>) target(%dma_start3A_128 : memref<128x64xf32, #tpu.memory_space<vmem>>) offsets(%dma_start3A_131 : memref<128xi32, #tpu.memory_space<vmem>>) semaphore(%dma_start3A_136 : memref<!tpu.dma_semaphore, #tpu.memory_space<semaphore_mem>>)
    %scan3A_137 = arith.constant 0 : i32
    %scan3A_138 = arith.constant 0 : i32
    %scan3A_139 = arith.constant 79 : i32
    %scan3A_140 = arith.addi %scan3A_138, %scan3A_139 : i32
    %scan3A_141 = arith.constant 1 : i32
    scf.for %scan3A_236 = %scan3A_138 to %scan3A_140 step %scan3A_141  : i32 {
      %rem3A = arith.constant 3 : i32
      %rem3A_237 = arith.remsi %scan3A_236, %rem3A : i32
      %add3A_238 = arith.constant 1 : i32
      %add3A_239 = arith.addi %scan3A_236, %add3A_238 : i32
      %rem3A_240 = arith.constant 3 : i32
      %rem3A_241 = arith.remsi %add3A_239, %rem3A_240 : i32
      %ge3A = arith.constant 2 : i32
      %ge3A_242 = arith.cmpi sge, %scan3A_236, %ge3A : i32
      %convert_element_type3A_243 = arith.extui %ge3A_242 : i1 to i32
      %cond3A_244 = arith.constant 0 : i32
      %cond3A_245 = arith.cmpi ne, %convert_element_type3A_243, %cond3A_244 : i32
      scf.if %cond3A_245 {
        %sub3A = arith.constant 2 : i32
        %sub3A_276 = arith.subi %scan3A_236, %sub3A : i32
        %dma_wait3A_277 = arith.constant 0 : i32
        %dma_wait3A_278 = arith.constant 0 : i32
        %dma_wait3A_279 = tpu.memref_slice %arg11[%rem3A_241, %dma_wait3A_277, %dma_wait3A_278] : memref<3x128x64xf32, #tpu.memory_space<vmem>> -> memref<1x128x64xf32, #tpu.memory_space<vmem>>
        %dma_wait3A_280 = tpu.memref_squeeze %dma_wait3A_279 : memref<1x128x64xf32, #tpu.memory_space<vmem>> -> memref<128x64xf32, #tpu.memory_space<vmem>>
        %dma_wait3A_281 = arith.constant 0 : i32
        %dma_wait3A_282 = tpu.memref_slice %arg10[%sub3A_276, %dma_wait3A_281] : memref<79x128xi32, #tpu.memory_space<vmem>> -> memref<1x128xi32, #tpu.memory_space<vmem>>
        %dma_wait3A_283 = tpu.memref_squeeze %dma_wait3A_282 : memref<1x128xi32, #tpu.memory_space<vmem>> -> memref<128xi32, #tpu.memory_space<vmem>>
        %dma_wait3A_284 = arith.constant 0 : i32
        %dma_wait3A_285 = arith.constant 0 : i32
        %dma_wait3A_286 = tpu.memref_slice %arg8[%dma_wait3A_284, %dma_wait3A_285] : memref<10008x64xf32, #tpu.memory_space<vmem_shared>> -> memref<10008x64xf32, #tpu.memory_space<vmem_shared>>
        %dma_wait3A_287 = tpu.memref_slice %arg14[%rem3A_241] : memref<3x!tpu.dma_semaphore, #tpu.memory_space<semaphore_mem>> -> memref<1x!tpu.dma_semaphore, #tpu.memory_space<semaphore_mem>>
        %dma_wait3A_288 = tpu.memref_squeeze %dma_wait3A_287 : memref<1x!tpu.dma_semaphore, #tpu.memory_space<semaphore_mem>> -> memref<!tpu.dma_semaphore, #tpu.memory_space<semaphore_mem>>
        tpu.wait_indirect_dma semaphore(%dma_wait3A_288 : memref<!tpu.dma_semaphore, #tpu.memory_space<semaphore_mem>>) src(%dma_wait3A_280 : memref<128x64xf32, #tpu.memory_space<vmem>>) dst(%dma_wait3A_286 : memref<10008x64xf32, #tpu.memory_space<vmem_shared>>)
      } else {
      }
      %add3A_246 = arith.constant 1 : i32
      %add3A_247 = arith.addi %scan3A_236, %add3A_246 : i32
      %lt3A = arith.constant 79 : i32
      %lt3A_248 = arith.cmpi slt, %add3A_247, %lt3A : i32
      %convert_element_type3A_249 = arith.extui %lt3A_248 : i1 to i32
      %cond3A_250 = arith.constant 0 : i32
      %cond3A_251 = arith.cmpi ne, %convert_element_type3A_249, %cond3A_250 : i32
      scf.if %cond3A_251 {
        %add3A_276 = arith.constant 1 : i32
        %add3A_277 = arith.addi %scan3A_236, %add3A_276 : i32
        %dma_start3A_278 = arith.constant 0 : i32
        %dma_start3A_279 = arith.constant 0 : i32
        %dma_start3A_280 = tpu.memref_slice %arg11[%rem3A_241, %dma_start3A_278, %dma_start3A_279] : memref<3x128x64xf32, #tpu.memory_space<vmem>> -> memref<1x128x64xf32, #tpu.memory_space<vmem>>
        %dma_start3A_281 = tpu.memref_squeeze %dma_start3A_280 : memref<1x128x64xf32, #tpu.memory_space<vmem>> -> memref<128x64xf32, #tpu.memory_space<vmem>>
        %dma_start3A_282 = arith.constant 0 : i32
        %dma_start3A_283 = tpu.memref_slice %arg9[%add3A_277, %dma_start3A_282] : memref<79x128xi32, #tpu.memory_space<vmem>> -> memref<1x128xi32, #tpu.memory_space<vmem>>
        %dma_start3A_284 = tpu.memref_squeeze %dma_start3A_283 : memref<1x128xi32, #tpu.memory_space<vmem>> -> memref<128xi32, #tpu.memory_space<vmem>>
        %dma_start3A_285 = arith.constant 0 : i32
        %dma_start3A_286 = arith.constant 0 : i32
        %dma_start3A_287 = tpu.memref_slice %arg7[%dma_start3A_285, %dma_start3A_286] : memref<10000x64xf32, #tpu.memory_space<vmem_shared>> -> memref<10000x64xf32, #tpu.memory_space<vmem_shared>>
        %dma_start3A_288 = tpu.memref_slice %arg13[%rem3A_241] : memref<3x!tpu.dma_semaphore, #tpu.memory_space<semaphore_mem>> -> memref<1x!tpu.dma_semaphore, #tpu.memory_space<semaphore_mem>>
        %dma_start3A_289 = tpu.memref_squeeze %dma_start3A_288 : memref<1x!tpu.dma_semaphore, #tpu.memory_space<semaphore_mem>> -> memref<!tpu.dma_semaphore, #tpu.memory_space<semaphore_mem>>
        tpu.enqueue_indirect_dma source(%dma_start3A_287 : memref<10000x64xf32, #tpu.memory_space<vmem_shared>>) target(%dma_start3A_281 : memref<128x64xf32, #tpu.memory_space<vmem>>) offsets(%dma_start3A_284 : memref<128xi32, #tpu.memory_space<vmem>>) semaphore(%dma_start3A_289 : memref<!tpu.dma_semaphore, #tpu.memory_space<semaphore_mem>>)
      } else {
      }
      %dma_wait3A_252 = arith.constant 0 : i32
      %dma_wait3A_253 = arith.constant 0 : i32
      %dma_wait3A_254 = tpu.memref_slice %arg11[%rem3A_237, %dma_wait3A_252, %dma_wait3A_253] : memref<3x128x64xf32, #tpu.memory_space<vmem>> -> memref<1x128x64xf32, #tpu.memory_space<vmem>>
      %dma_wait3A_255 = tpu.memref_squeeze %dma_wait3A_254 : memref<1x128x64xf32, #tpu.memory_space<vmem>> -> memref<128x64xf32, #tpu.memory_space<vmem>>
      %dma_wait3A_256 = arith.constant 0 : i32
      %dma_wait3A_257 = tpu.memref_slice %arg9[%scan3A_236, %dma_wait3A_256] : memref<79x128xi32, #tpu.memory_space<vmem>> -> memref<1x128xi32, #tpu.memory_space<vmem>>
      %dma_wait3A_258 = tpu.memref_squeeze %dma_wait3A_257 : memref<1x128xi32, #tpu.memory_space<vmem>> -> memref<128xi32, #tpu.memory_space<vmem>>
      %dma_wait3A_259 = arith.constant 0 : i32
      %dma_wait3A_260 = arith.constant 0 : i32
      %dma_wait3A_261 = tpu.memref_slice %arg7[%dma_wait3A_259, %dma_wait3A_260] : memref<10000x64xf32, #tpu.memory_space<vmem_shared>> -> memref<10000x64xf32, #tpu.memory_space<vmem_shared>>
      %dma_wait3A_262 = tpu.memref_slice %arg13[%rem3A_237] : memref<3x!tpu.dma_semaphore, #tpu.memory_space<semaphore_mem>> -> memref<1x!tpu.dma_semaphore, #tpu.memory_space<semaphore_mem>>
      %dma_wait3A_263 = tpu.memref_squeeze %dma_wait3A_262 : memref<1x!tpu.dma_semaphore, #tpu.memory_space<semaphore_mem>> -> memref<!tpu.dma_semaphore, #tpu.memory_space<semaphore_mem>>
      tpu.wait_indirect_dma semaphore(%dma_wait3A_263 : memref<!tpu.dma_semaphore, #tpu.memory_space<semaphore_mem>>) src(%dma_wait3A_261 : memref<10000x64xf32, #tpu.memory_space<vmem_shared>>) dst(%dma_wait3A_255 : memref<128x64xf32, #tpu.memory_space<vmem>>)
      %dma_start3A_264 = arith.constant 0 : i32
      %dma_start3A_265 = arith.constant 0 : i32
      %dma_start3A_266 = tpu.memref_slice %arg11[%rem3A_237, %dma_start3A_264, %dma_start3A_265] : memref<3x128x64xf32, #tpu.memory_space<vmem>> -> memref<1x128x64xf32, #tpu.memory_space<vmem>>
      %dma_start3A_267 = tpu.memref_squeeze %dma_start3A_266 : memref<1x128x64xf32, #tpu.memory_space<vmem>> -> memref<128x64xf32, #tpu.memory_space<vmem>>
      %dma_start3A_268 = arith.constant 0 : i32
      %dma_start3A_269 = tpu.memref_slice %arg10[%scan3A_236, %dma_start3A_268] : memref<79x128xi32, #tpu.memory_space<vmem>> -> memref<1x128xi32, #tpu.memory_space<vmem>>
      %dma_start3A_270 = tpu.memref_squeeze %dma_start3A_269 : memref<1x128xi32, #tpu.memory_space<vmem>> -> memref<128xi32, #tpu.memory_space<vmem>>
      %dma_start3A_271 = arith.constant 0 : i32
      %dma_start3A_272 = arith.constant 0 : i32
      %dma_start3A_273 = tpu.memref_slice %arg8[%dma_start3A_271, %dma_start3A_272] : memref<10008x64xf32, #tpu.memory_space<vmem_shared>> -> memref<10008x64xf32, #tpu.memory_space<vmem_shared>>
      %dma_start3A_274 = tpu.memref_slice %arg14[%rem3A_237] : memref<3x!tpu.dma_semaphore, #tpu.memory_space<semaphore_mem>> -> memref<1x!tpu.dma_semaphore, #tpu.memory_space<semaphore_mem>>
      %dma_start3A_275 = tpu.memref_squeeze %dma_start3A_274 : memref<1x!tpu.dma_semaphore, #tpu.memory_space<semaphore_mem>> -> memref<!tpu.dma_semaphore, #tpu.memory_space<semaphore_mem>>
      tpu.enqueue_indirect_dma source(%dma_start3A_267 : memref<128x64xf32, #tpu.memory_space<vmem>>) target(%dma_start3A_273 : memref<10008x64xf32, #tpu.memory_space<vmem_shared>>) offsets(%dma_start3A_270 : memref<128xi32, #tpu.memory_space<vmem>>) semaphore(%dma_start3A_275 : memref<!tpu.dma_semaphore, #tpu.memory_space<semaphore_mem>>) {add = true}
    }
    %scan3A_142 = arith.constant 79 : i32
    %dma_wait3A_143 = arith.constant 2 : i32
    %dma_wait3A_144 = arith.constant 77 : i32
    %dma_wait3A_145 = arith.constant 2 : i32
    %dma_wait3A_146 = arith.constant 0 : i32
    %dma_wait3A_147 = arith.constant 0 : i32
    %dma_wait3A_148 = tpu.memref_slice %arg11[%dma_wait3A_143, %dma_wait3A_146, %dma_wait3A_147] : memref<3x128x64xf32, #tpu.memory_space<vmem>> -> memref<1x128x64xf32, #tpu.memory_space<vmem>>
    %dma_wait3A_149 = tpu.memref_squeeze %dma_wait3A_148 : memref<1x128x64xf32, #tpu.memory_space<vmem>> -> memref<128x64xf32, #tpu.memory_space<vmem>>
    %dma_wait3A_150 = arith.constant 0 : i32
    %dma_wait3A_151 = tpu.memref_slice %arg10[%dma_wait3A_144, %dma_wait3A_150] : memref<79x128xi32, #tpu.memory_space<vmem>> -> memref<1x128xi32, #tpu.memory_space<vmem>>
    %dma_wait3A_152 = tpu.memref_squeeze %dma_wait3A_151 : memref<1x128xi32, #tpu.memory_space<vmem>> -> memref<128xi32, #tpu.memory_space<vmem>>
    %dma_wait3A_153 = arith.constant 0 : i32
    %dma_wait3A_154 = arith.constant 0 : i32
    %dma_wait3A_155 = tpu.memref_slice %arg8[%dma_wait3A_153, %dma_wait3A_154] : memref<10008x64xf32, #tpu.memory_space<vmem_shared>> -> memref<10008x64xf32, #tpu.memory_space<vmem_shared>>
    %dma_wait3A_156 = tpu.memref_slice %arg14[%dma_wait3A_145] : memref<3x!tpu.dma_semaphore, #tpu.memory_space<semaphore_mem>> -> memref<1x!tpu.dma_semaphore, #tpu.memory_space<semaphore_mem>>
    %dma_wait3A_157 = tpu.memref_squeeze %dma_wait3A_156 : memref<1x!tpu.dma_semaphore, #tpu.memory_space<semaphore_mem>> -> memref<!tpu.dma_semaphore, #tpu.memory_space<semaphore_mem>>
    tpu.wait_indirect_dma semaphore(%dma_wait3A_157 : memref<!tpu.dma_semaphore, #tpu.memory_space<semaphore_mem>>) src(%dma_wait3A_149 : memref<128x64xf32, #tpu.memory_space<vmem>>) dst(%dma_wait3A_155 : memref<10008x64xf32, #tpu.memory_space<vmem_shared>>)
    %dma_wait3A_158 = arith.constant 0 : i32
    %dma_wait3A_159 = arith.constant 78 : i32
    %dma_wait3A_160 = arith.constant 0 : i32
    %dma_wait3A_161 = arith.constant 0 : i32
    %dma_wait3A_162 = arith.constant 0 : i32
    %dma_wait3A_163 = tpu.memref_slice %arg11[%dma_wait3A_158, %dma_wait3A_161, %dma_wait3A_162] : memref<3x128x64xf32, #tpu.memory_space<vmem>> -> memref<1x128x64xf32, #tpu.memory_space<vmem>>
    %dma_wait3A_164 = tpu.memref_squeeze %dma_wait3A_163 : memref<1x128x64xf32, #tpu.memory_space<vmem>> -> memref<128x64xf32, #tpu.memory_space<vmem>>
    %dma_wait3A_165 = arith.constant 0 : i32
    %dma_wait3A_166 = tpu.memref_slice %arg10[%dma_wait3A_159, %dma_wait3A_165] : memref<79x128xi32, #tpu.memory_space<vmem>> -> memref<1x128xi32, #tpu.memory_space<vmem>>
    %dma_wait3A_167 = tpu.memref_squeeze %dma_wait3A_166 : memref<1x128xi32, #tpu.memory_space<vmem>> -> memref<128xi32, #tpu.memory_space<vmem>>
    %dma_wait3A_168 = arith.constant 0 : i32
    %dma_wait3A_169 = arith.constant 0 : i32
    %dma_wait3A_170 = tpu.memref_slice %arg8[%dma_wait3A_168, %dma_wait3A_169] : memref<10008x64xf32, #tpu.memory_space<vmem_shared>> -> memref<10008x64xf32, #tpu.memory_space<vmem_shared>>
    %dma_wait3A_171 = tpu.memref_slice %arg14[%dma_wait3A_160] : memref<3x!tpu.dma_semaphore, #tpu.memory_space<semaphore_mem>> -> memref<1x!tpu.dma_semaphore, #tpu.memory_space<semaphore_mem>>
    %dma_wait3A_172 = tpu.memref_squeeze %dma_wait3A_171 : memref<1x!tpu.dma_semaphore, #tpu.memory_space<semaphore_mem>> -> memref<!tpu.dma_semaphore, #tpu.memory_space<semaphore_mem>>
    tpu.wait_indirect_dma semaphore(%dma_wait3A_172 : memref<!tpu.dma_semaphore, #tpu.memory_space<semaphore_mem>>) src(%dma_wait3A_164 : memref<128x64xf32, #tpu.memory_space<vmem>>) dst(%dma_wait3A_170 : memref<10008x64xf32, #tpu.memory_space<vmem_shared>>)
    "tpu.region"() ({
      %run_scoped3A_236 = tpu.sem_alloc : memref<!tpu.dma_semaphore, #tpu.memory_space<semaphore_mem>>
      %dma_start3A_237 = arith.constant 79 : i32
      %dma_start3A_238 = arith.constant 0 : i32
      %dma_start3A_239 = tpu.memref_slice %arg3[%arg1, %dma_start3A_237, %dma_start3A_238] : memref<16x158x128xi32, #tpu.memory_space<hbm>> -> memref<1x79x128xi32, #tpu.memory_space<hbm>>
      %dma_start3A_240 = tpu.memref_squeeze %dma_start3A_239 : memref<1x79x128xi32, #tpu.memory_space<hbm>> -> memref<79x128xi32, #tpu.memory_space<hbm>>
      %dma_start3A_241 = arith.constant 79 : i32
      %dma_start3A_242 = arith.constant 0 : i32
      %dma_start3A_243 = tpu.memref_slice %arg3[%arg1, %dma_start3A_241, %dma_start3A_242] : memref<16x158x128xi32, #tpu.memory_space<hbm>> -> memref<1x79x128xi32, #tpu.memory_space<hbm>>
      %dma_start3A_244 = tpu.memref_squeeze %dma_start3A_243 : memref<1x79x128xi32, #tpu.memory_space<hbm>> -> memref<79x128xi32, #tpu.memory_space<hbm>>
      tpu.enqueue_dma source(%dma_start3A_244 : memref<79x128xi32, #tpu.memory_space<hbm>>) target(%arg9 : memref<79x128xi32, #tpu.memory_space<vmem>>) target_semaphore(%run_scoped3A_236 : memref<!tpu.dma_semaphore, #tpu.memory_space<semaphore_mem>>)
      %dma_wait3A_245 = arith.constant 79 : i32
      %dma_wait3A_246 = arith.constant 0 : i32
      %dma_wait3A_247 = tpu.memref_slice %arg3[%arg1, %dma_wait3A_245, %dma_wait3A_246] : memref<16x158x128xi32, #tpu.memory_space<hbm>> -> memref<1x79x128xi32, #tpu.memory_space<hbm>>
      %dma_wait3A_248 = tpu.memref_squeeze %dma_wait3A_247 : memref<1x79x128xi32, #tpu.memory_space<hbm>> -> memref<79x128xi32, #tpu.memory_space<hbm>>
      %dma_wait3A_249 = arith.constant 79 : i32
      %dma_wait3A_250 = arith.constant 0 : i32
      %dma_wait3A_251 = tpu.memref_slice %arg3[%arg1, %dma_wait3A_249, %dma_wait3A_250] : memref<16x158x128xi32, #tpu.memory_space<hbm>> -> memref<1x79x128xi32, #tpu.memory_space<hbm>>
      %dma_wait3A_252 = tpu.memref_squeeze %dma_wait3A_251 : memref<1x79x128xi32, #tpu.memory_space<hbm>> -> memref<79x128xi32, #tpu.memory_space<hbm>>
      tpu.wait_dma2 semaphore(%run_scoped3A_236 : memref<!tpu.dma_semaphore, #tpu.memory_space<semaphore_mem>>) src(%dma_wait3A_252 : memref<79x128xi32, #tpu.memory_space<hbm>>) dst(%arg9 : memref<79x128xi32, #tpu.memory_space<vmem>>)
      tpu.yield
    }) : () -> ()
    "tpu.region"() ({
      %run_scoped3A_236 = tpu.sem_alloc : memref<!tpu.dma_semaphore, #tpu.memory_space<semaphore_mem>>
      %dma_start3A_237 = arith.constant 79 : i32
      %dma_start3A_238 = arith.constant 0 : i32
      %dma_start3A_239 = tpu.memref_slice %arg4[%arg1, %dma_start3A_237, %dma_start3A_238] : memref<16x158x128xi32, #tpu.memory_space<hbm>> -> memref<1x79x128xi32, #tpu.memory_space<hbm>>
      %dma_start3A_240 = tpu.memref_squeeze %dma_start3A_239 : memref<1x79x128xi32, #tpu.memory_space<hbm>> -> memref<79x128xi32, #tpu.memory_space<hbm>>
      %dma_start3A_241 = arith.constant 79 : i32
      %dma_start3A_242 = arith.constant 0 : i32
      %dma_start3A_243 = tpu.memref_slice %arg4[%arg1, %dma_start3A_241, %dma_start3A_242] : memref<16x158x128xi32, #tpu.memory_space<hbm>> -> memref<1x79x128xi32, #tpu.memory_space<hbm>>
      %dma_start3A_244 = tpu.memref_squeeze %dma_start3A_243 : memref<1x79x128xi32, #tpu.memory_space<hbm>> -> memref<79x128xi32, #tpu.memory_space<hbm>>
      tpu.enqueue_dma source(%dma_start3A_244 : memref<79x128xi32, #tpu.memory_space<hbm>>) target(%arg10 : memref<79x128xi32, #tpu.memory_space<vmem>>) target_semaphore(%run_scoped3A_236 : memref<!tpu.dma_semaphore, #tpu.memory_space<semaphore_mem>>)
      %dma_wait3A_245 = arith.constant 79 : i32
      %dma_wait3A_246 = arith.constant 0 : i32
      %dma_wait3A_247 = tpu.memref_slice %arg4[%arg1, %dma_wait3A_245, %dma_wait3A_246] : memref<16x158x128xi32, #tpu.memory_space<hbm>> -> memref<1x79x128xi32, #tpu.memory_space<hbm>>
      %dma_wait3A_248 = tpu.memref_squeeze %dma_wait3A_247 : memref<1x79x128xi32, #tpu.memory_space<hbm>> -> memref<79x128xi32, #tpu.memory_space<hbm>>
      %dma_wait3A_249 = arith.constant 79 : i32
      %dma_wait3A_250 = arith.constant 0 : i32
      %dma_wait3A_251 = tpu.memref_slice %arg4[%arg1, %dma_wait3A_249, %dma_wait3A_250] : memref<16x158x128xi32, #tpu.memory_space<hbm>> -> memref<1x79x128xi32, #tpu.memory_space<hbm>>
      %dma_wait3A_252 = tpu.memref_squeeze %dma_wait3A_251 : memref<1x79x128xi32, #tpu.memory_space<hbm>> -> memref<79x128xi32, #tpu.memory_space<hbm>>
      tpu.wait_dma2 semaphore(%run_scoped3A_236 : memref<!tpu.dma_semaphore, #tpu.memory_space<semaphore_mem>>) src(%dma_wait3A_252 : memref<79x128xi32, #tpu.memory_space<hbm>>) dst(%arg10 : memref<79x128xi32, #tpu.memory_space<vmem>>)
      tpu.yield
    }) : () -> ()
    %dma_start3A_173 = arith.constant 0 : i32
    %dma_start3A_174 = arith.constant 0 : i32
    %dma_start3A_175 = arith.constant 0 : i32
    %dma_start3A_176 = arith.constant 0 : i32
    %dma_start3A_177 = arith.constant 0 : i32
    %dma_start3A_178 = tpu.memref_slice %arg11[%dma_start3A_174, %dma_start3A_176, %dma_start3A_177] : memref<3x128x64xf32, #tpu.memory_space<vmem>> -> memref<1x128x64xf32, #tpu.memory_space<vmem>>
    %dma_start3A_179 = tpu.memref_squeeze %dma_start3A_178 : memref<1x128x64xf32, #tpu.memory_space<vmem>> -> memref<128x64xf32, #tpu.memory_space<vmem>>
    %dma_start3A_180 = arith.constant 0 : i32
    %dma_start3A_181 = tpu.memref_slice %arg9[%dma_start3A_173, %dma_start3A_180] : memref<79x128xi32, #tpu.memory_space<vmem>> -> memref<1x128xi32, #tpu.memory_space<vmem>>
    %dma_start3A_182 = tpu.memref_squeeze %dma_start3A_181 : memref<1x128xi32, #tpu.memory_space<vmem>> -> memref<128xi32, #tpu.memory_space<vmem>>
    %dma_start3A_183 = arith.constant 0 : i32
    %dma_start3A_184 = arith.constant 0 : i32
    %dma_start3A_185 = tpu.memref_slice %arg7[%dma_start3A_183, %dma_start3A_184] : memref<10000x64xf32, #tpu.memory_space<vmem_shared>> -> memref<10000x64xf32, #tpu.memory_space<vmem_shared>>
    %dma_start3A_186 = tpu.memref_slice %arg13[%dma_start3A_175] : memref<3x!tpu.dma_semaphore, #tpu.memory_space<semaphore_mem>> -> memref<1x!tpu.dma_semaphore, #tpu.memory_space<semaphore_mem>>
    %dma_start3A_187 = tpu.memref_squeeze %dma_start3A_186 : memref<1x!tpu.dma_semaphore, #tpu.memory_space<semaphore_mem>> -> memref<!tpu.dma_semaphore, #tpu.memory_space<semaphore_mem>>
    tpu.enqueue_indirect_dma source(%dma_start3A_185 : memref<10000x64xf32, #tpu.memory_space<vmem_shared>>) target(%dma_start3A_179 : memref<128x64xf32, #tpu.memory_space<vmem>>) offsets(%dma_start3A_182 : memref<128xi32, #tpu.memory_space<vmem>>) semaphore(%dma_start3A_187 : memref<!tpu.dma_semaphore, #tpu.memory_space<semaphore_mem>>)
    %scan3A_188 = arith.constant 0 : i32
    %scan3A_189 = arith.constant 0 : i32
    %scan3A_190 = arith.constant 79 : i32
    %scan3A_191 = arith.addi %scan3A_189, %scan3A_190 : i32
    %scan3A_192 = arith.constant 1 : i32
    scf.for %scan3A_236 = %scan3A_189 to %scan3A_191 step %scan3A_192  : i32 {
      %rem3A = arith.constant 3 : i32
      %rem3A_237 = arith.remsi %scan3A_236, %rem3A : i32
      %add3A_238 = arith.constant 1 : i32
      %add3A_239 = arith.addi %scan3A_236, %add3A_238 : i32
      %rem3A_240 = arith.constant 3 : i32
      %rem3A_241 = arith.remsi %add3A_239, %rem3A_240 : i32
      %ge3A = arith.constant 2 : i32
      %ge3A_242 = arith.cmpi sge, %scan3A_236, %ge3A : i32
      %convert_element_type3A_243 = arith.extui %ge3A_242 : i1 to i32
      %cond3A_244 = arith.constant 0 : i32
      %cond3A_245 = arith.cmpi ne, %convert_element_type3A_243, %cond3A_244 : i32
      scf.if %cond3A_245 {
        %sub3A = arith.constant 2 : i32
        %sub3A_276 = arith.subi %scan3A_236, %sub3A : i32
        %dma_wait3A_277 = arith.constant 0 : i32
        %dma_wait3A_278 = arith.constant 0 : i32
        %dma_wait3A_279 = tpu.memref_slice %arg11[%rem3A_241, %dma_wait3A_277, %dma_wait3A_278] : memref<3x128x64xf32, #tpu.memory_space<vmem>> -> memref<1x128x64xf32, #tpu.memory_space<vmem>>
        %dma_wait3A_280 = tpu.memref_squeeze %dma_wait3A_279 : memref<1x128x64xf32, #tpu.memory_space<vmem>> -> memref<128x64xf32, #tpu.memory_space<vmem>>
        %dma_wait3A_281 = arith.constant 0 : i32
        %dma_wait3A_282 = tpu.memref_slice %arg10[%sub3A_276, %dma_wait3A_281] : memref<79x128xi32, #tpu.memory_space<vmem>> -> memref<1x128xi32, #tpu.memory_space<vmem>>
        %dma_wait3A_283 = tpu.memref_squeeze %dma_wait3A_282 : memref<1x128xi32, #tpu.memory_space<vmem>> -> memref<128xi32, #tpu.memory_space<vmem>>
        %dma_wait3A_284 = arith.constant 0 : i32
        %dma_wait3A_285 = arith.constant 0 : i32
        %dma_wait3A_286 = tpu.memref_slice %arg8[%dma_wait3A_284, %dma_wait3A_285] : memref<10008x64xf32, #tpu.memory_space<vmem_shared>> -> memref<10008x64xf32, #tpu.memory_space<vmem_shared>>
        %dma_wait3A_287 = tpu.memref_slice %arg14[%rem3A_241] : memref<3x!tpu.dma_semaphore, #tpu.memory_space<semaphore_mem>> -> memref<1x!tpu.dma_semaphore, #tpu.memory_space<semaphore_mem>>
        %dma_wait3A_288 = tpu.memref_squeeze %dma_wait3A_287 : memref<1x!tpu.dma_semaphore, #tpu.memory_space<semaphore_mem>> -> memref<!tpu.dma_semaphore, #tpu.memory_space<semaphore_mem>>
        tpu.wait_indirect_dma semaphore(%dma_wait3A_288 : memref<!tpu.dma_semaphore, #tpu.memory_space<semaphore_mem>>) src(%dma_wait3A_280 : memref<128x64xf32, #tpu.memory_space<vmem>>) dst(%dma_wait3A_286 : memref<10008x64xf32, #tpu.memory_space<vmem_shared>>)
      } else {
      }
      %add3A_246 = arith.constant 1 : i32
      %add3A_247 = arith.addi %scan3A_236, %add3A_246 : i32
      %lt3A = arith.constant 79 : i32
      %lt3A_248 = arith.cmpi slt, %add3A_247, %lt3A : i32
      %convert_element_type3A_249 = arith.extui %lt3A_248 : i1 to i32
      %cond3A_250 = arith.constant 0 : i32
      %cond3A_251 = arith.cmpi ne, %convert_element_type3A_249, %cond3A_250 : i32
      scf.if %cond3A_251 {
        %add3A_276 = arith.constant 1 : i32
        %add3A_277 = arith.addi %scan3A_236, %add3A_276 : i32
        %dma_start3A_278 = arith.constant 0 : i32
        %dma_start3A_279 = arith.constant 0 : i32
        %dma_start3A_280 = tpu.memref_slice %arg11[%rem3A_241, %dma_start3A_278, %dma_start3A_279] : memref<3x128x64xf32, #tpu.memory_space<vmem>> -> memref<1x128x64xf32, #tpu.memory_space<vmem>>
        %dma_start3A_281 = tpu.memref_squeeze %dma_start3A_280 : memref<1x128x64xf32, #tpu.memory_space<vmem>> -> memref<128x64xf32, #tpu.memory_space<vmem>>
        %dma_start3A_282 = arith.constant 0 : i32
        %dma_start3A_283 = tpu.memref_slice %arg9[%add3A_277, %dma_start3A_282] : memref<79x128xi32, #tpu.memory_space<vmem>> -> memref<1x128xi32, #tpu.memory_space<vmem>>
        %dma_start3A_284 = tpu.memref_squeeze %dma_start3A_283 : memref<1x128xi32, #tpu.memory_space<vmem>> -> memref<128xi32, #tpu.memory_space<vmem>>
        %dma_start3A_285 = arith.constant 0 : i32
        %dma_start3A_286 = arith.constant 0 : i32
        %dma_start3A_287 = tpu.memref_slice %arg7[%dma_start3A_285, %dma_start3A_286] : memref<10000x64xf32, #tpu.memory_space<vmem_shared>> -> memref<10000x64xf32, #tpu.memory_space<vmem_shared>>
        %dma_start3A_288 = tpu.memref_slice %arg13[%rem3A_241] : memref<3x!tpu.dma_semaphore, #tpu.memory_space<semaphore_mem>> -> memref<1x!tpu.dma_semaphore, #tpu.memory_space<semaphore_mem>>
        %dma_start3A_289 = tpu.memref_squeeze %dma_start3A_288 : memref<1x!tpu.dma_semaphore, #tpu.memory_space<semaphore_mem>> -> memref<!tpu.dma_semaphore, #tpu.memory_space<semaphore_mem>>
        tpu.enqueue_indirect_dma source(%dma_start3A_287 : memref<10000x64xf32, #tpu.memory_space<vmem_shared>>) target(%dma_start3A_281 : memref<128x64xf32, #tpu.memory_space<vmem>>) offsets(%dma_start3A_284 : memref<128xi32, #tpu.memory_space<vmem>>) semaphore(%dma_start3A_289 : memref<!tpu.dma_semaphore, #tpu.memory_space<semaphore_mem>>)
      } else {
      }
      %dma_wait3A_252 = arith.constant 0 : i32
      %dma_wait3A_253 = arith.constant 0 : i32
      %dma_wait3A_254 = tpu.memref_slice %arg11[%rem3A_237, %dma_wait3A_252, %dma_wait3A_253] : memref<3x128x64xf32, #tpu.memory_space<vmem>> -> memref<1x128x64xf32, #tpu.memory_space<vmem>>
      %dma_wait3A_255 = tpu.memref_squeeze %dma_wait3A_254 : memref<1x128x64xf32, #tpu.memory_space<vmem>> -> memref<128x64xf32, #tpu.memory_space<vmem>>
      %dma_wait3A_256 = arith.constant 0 : i32
      %dma_wait3A_257 = tpu.memref_slice %arg9[%scan3A_236, %dma_wait3A_256] : memref<79x128xi32, #tpu.memory_space<vmem>> -> memref<1x128xi32, #tpu.memory_space<vmem>>
      %dma_wait3A_258 = tpu.memref_squeeze %dma_wait3A_257 : memref<1x128xi32, #tpu.memory_space<vmem>> -> memref<128xi32, #tpu.memory_space<vmem>>
      %dma_wait3A_259 = arith.constant 0 : i32
      %dma_wait3A_260 = arith.constant 0 : i32
      %dma_wait3A_261 = tpu.memref_slice %arg7[%dma_wait3A_259, %dma_wait3A_260] : memref<10000x64xf32, #tpu.memory_space<vmem_shared>> -> memref<10000x64xf32, #tpu.memory_space<vmem_shared>>
      %dma_wait3A_262 = tpu.memref_slice %arg13[%rem3A_237] : memref<3x!tpu.dma_semaphore, #tpu.memory_space<semaphore_mem>> -> memref<1x!tpu.dma_semaphore, #tpu.memory_space<semaphore_mem>>
      %dma_wait3A_263 = tpu.memref_squeeze %dma_wait3A_262 : memref<1x!tpu.dma_semaphore, #tpu.memory_space<semaphore_mem>> -> memref<!tpu.dma_semaphore, #tpu.memory_space<semaphore_mem>>
      tpu.wait_indirect_dma semaphore(%dma_wait3A_263 : memref<!tpu.dma_semaphore, #tpu.memory_space<semaphore_mem>>) src(%dma_wait3A_261 : memref<10000x64xf32, #tpu.memory_space<vmem_shared>>) dst(%dma_wait3A_255 : memref<128x64xf32, #tpu.memory_space<vmem>>)
      %dma_start3A_264 = arith.constant 0 : i32
      %dma_start3A_265 = arith.constant 0 : i32
      %dma_start3A_266 = tpu.memref_slice %arg11[%rem3A_237, %dma_start3A_264, %dma_start3A_265] : memref<3x128x64xf32, #tpu.memory_space<vmem>> -> memref<1x128x64xf32, #tpu.memory_space<vmem>>
      %dma_start3A_267 = tpu.memref_squeeze %dma_start3A_266 : memref<1x128x64xf32, #tpu.memory_space<vmem>> -> memref<128x64xf32, #tpu.memory_space<vmem>>
      %dma_start3A_268 = arith.constant 0 : i32
      %dma_start3A_269 = tpu.memref_slice %arg10[%scan3A_236, %dma_start3A_268] : memref<79x128xi32, #tpu.memory_space<vmem>> -> memref<1x128xi32, #tpu.memory_space<vmem>>
      %dma_start3A_270 = tpu.memref_squeeze %dma_start3A_269 : memref<1x128xi32, #tpu.memory_space<vmem>> -> memref<128xi32, #tpu.memory_space<vmem>>
      %dma_start3A_271 = arith.constant 0 : i32
      %dma_start3A_272 = arith.constant 0 : i32
      %dma_start3A_273 = tpu.memref_slice %arg8[%dma_start3A_271, %dma_start3A_272] : memref<10008x64xf32, #tpu.memory_space<vmem_shared>> -> memref<10008x64xf32, #tpu.memory_space<vmem_shared>>
      %dma_start3A_274 = tpu.memref_slice %arg14[%rem3A_237] : memref<3x!tpu.dma_semaphore, #tpu.memory_space<semaphore_mem>> -> memref<1x!tpu.dma_semaphore, #tpu.memory_space<semaphore_mem>>
      %dma_start3A_275 = tpu.memref_squeeze %dma_start3A_274 : memref<1x!tpu.dma_semaphore, #tpu.memory_space<semaphore_mem>> -> memref<!tpu.dma_semaphore, #tpu.memory_space<semaphore_mem>>
      tpu.enqueue_indirect_dma source(%dma_start3A_267 : memref<128x64xf32, #tpu.memory_space<vmem>>) target(%dma_start3A_273 : memref<10008x64xf32, #tpu.memory_space<vmem_shared>>) offsets(%dma_start3A_270 : memref<128xi32, #tpu.memory_space<vmem>>) semaphore(%dma_start3A_275 : memref<!tpu.dma_semaphore, #tpu.memory_space<semaphore_mem>>) {add = true}
    }
    %scan3A_193 = arith.constant 79 : i32
    %dma_wait3A_194 = arith.constant 2 : i32
    %dma_wait3A_195 = arith.constant 77 : i32
    %dma_wait3A_196 = arith.constant 2 : i32
    %dma_wait3A_197 = arith.constant 0 : i32
    %dma_wait3A_198 = arith.constant 0 : i32
    %dma_wait3A_199 = tpu.memref_slice %arg11[%dma_wait3A_194, %dma_wait3A_197, %dma_wait3A_198] : memref<3x128x64xf32, #tpu.memory_space<vmem>> -> memref<1x128x64xf32, #tpu.memory_space<vmem>>
    %dma_wait3A_200 = tpu.memref_squeeze %dma_wait3A_199 : memref<1x128x64xf32, #tpu.memory_space<vmem>> -> memref<128x64xf32, #tpu.memory_space<vmem>>
    %dma_wait3A_201 = arith.constant 0 : i32
    %dma_wait3A_202 = tpu.memref_slice %arg10[%dma_wait3A_195, %dma_wait3A_201] : memref<79x128xi32, #tpu.memory_space<vmem>> -> memref<1x128xi32, #tpu.memory_space<vmem>>
    %dma_wait3A_203 = tpu.memref_squeeze %dma_wait3A_202 : memref<1x128xi32, #tpu.memory_space<vmem>> -> memref<128xi32, #tpu.memory_space<vmem>>
    %dma_wait3A_204 = arith.constant 0 : i32
    %dma_wait3A_205 = arith.constant 0 : i32
    %dma_wait3A_206 = tpu.memref_slice %arg8[%dma_wait3A_204, %dma_wait3A_205] : memref<10008x64xf32, #tpu.memory_space<vmem_shared>> -> memref<10008x64xf32, #tpu.memory_space<vmem_shared>>
    %dma_wait3A_207 = tpu.memref_slice %arg14[%dma_wait3A_196] : memref<3x!tpu.dma_semaphore, #tpu.memory_space<semaphore_mem>> -> memref<1x!tpu.dma_semaphore, #tpu.memory_space<semaphore_mem>>
    %dma_wait3A_208 = tpu.memref_squeeze %dma_wait3A_207 : memref<1x!tpu.dma_semaphore, #tpu.memory_space<semaphore_mem>> -> memref<!tpu.dma_semaphore, #tpu.memory_space<semaphore_mem>>
    tpu.wait_indirect_dma semaphore(%dma_wait3A_208 : memref<!tpu.dma_semaphore, #tpu.memory_space<semaphore_mem>>) src(%dma_wait3A_200 : memref<128x64xf32, #tpu.memory_space<vmem>>) dst(%dma_wait3A_206 : memref<10008x64xf32, #tpu.memory_space<vmem_shared>>)
    %dma_wait3A_209 = arith.constant 0 : i32
    %dma_wait3A_210 = arith.constant 78 : i32
    %dma_wait3A_211 = arith.constant 0 : i32
    %dma_wait3A_212 = arith.constant 0 : i32
    %dma_wait3A_213 = arith.constant 0 : i32
    %dma_wait3A_214 = tpu.memref_slice %arg11[%dma_wait3A_209, %dma_wait3A_212, %dma_wait3A_213] : memref<3x128x64xf32, #tpu.memory_space<vmem>> -> memref<1x128x64xf32, #tpu.memory_space<vmem>>
    %dma_wait3A_215 = tpu.memref_squeeze %dma_wait3A_214 : memref<1x128x64xf32, #tpu.memory_space<vmem>> -> memref<128x64xf32, #tpu.memory_space<vmem>>
    %dma_wait3A_216 = arith.constant 0 : i32
    %dma_wait3A_217 = tpu.memref_slice %arg10[%dma_wait3A_210, %dma_wait3A_216] : memref<79x128xi32, #tpu.memory_space<vmem>> -> memref<1x128xi32, #tpu.memory_space<vmem>>
    %dma_wait3A_218 = tpu.memref_squeeze %dma_wait3A_217 : memref<1x128xi32, #tpu.memory_space<vmem>> -> memref<128xi32, #tpu.memory_space<vmem>>
    %dma_wait3A_219 = arith.constant 0 : i32
    %dma_wait3A_220 = arith.constant 0 : i32
    %dma_wait3A_221 = tpu.memref_slice %arg8[%dma_wait3A_219, %dma_wait3A_220] : memref<10008x64xf32, #tpu.memory_space<vmem_shared>> -> memref<10008x64xf32, #tpu.memory_space<vmem_shared>>
    %dma_wait3A_222 = tpu.memref_slice %arg14[%dma_wait3A_211] : memref<3x!tpu.dma_semaphore, #tpu.memory_space<semaphore_mem>> -> memref<1x!tpu.dma_semaphore, #tpu.memory_space<semaphore_mem>>
    %dma_wait3A_223 = tpu.memref_squeeze %dma_wait3A_222 : memref<1x!tpu.dma_semaphore, #tpu.memory_space<semaphore_mem>> -> memref<!tpu.dma_semaphore, #tpu.memory_space<semaphore_mem>>
    tpu.wait_indirect_dma semaphore(%dma_wait3A_223 : memref<!tpu.dma_semaphore, #tpu.memory_space<semaphore_mem>>) src(%dma_wait3A_215 : memref<128x64xf32, #tpu.memory_space<vmem>>) dst(%dma_wait3A_221 : memref<10008x64xf32, #tpu.memory_space<vmem_shared>>)
    %barrier3A_224 = arith.constant 0 : index
    tpu.barrier barrier_id(%barrier3A_224)
    %mul3A_225 = arith.constant 624 : i32
    %mul3A_226 = arith.muli %arg1, %mul3A_225 : i32
    %mul3A_227 = arith.constant 624 : i32
    %mul3A_228 = arith.muli %arg1, %mul3A_227 : i32
    %mul3A_229 = arith.constant 64 : i32
    %mul3A_230 = arith.muli %arg0, %mul3A_229 : i32
    "tpu.region"() ({
      %run_scoped3A_236 = tpu.sem_alloc : memref<!tpu.dma_semaphore, #tpu.memory_space<semaphore_mem>>
      %dma_start3A_237 = tpu.memref_slice %arg6[%mul3A_228, %mul3A_230] : memref<10000x128xf32, #tpu.memory_space<hbm>> -> memref<624x64xf32, #tpu.memory_space<hbm>>
      %dma_start3A_238 = arith.constant 0 : i32
      %dma_start3A_239 = tpu.memref_slice %arg8[%mul3A_226, %dma_start3A_238] : memref<10008x64xf32, #tpu.memory_space<vmem_shared>> -> memref<624x64xf32, #tpu.memory_space<vmem_shared>>
      tpu.enqueue_dma source(%dma_start3A_239 : memref<624x64xf32, #tpu.memory_space<vmem_shared>>) target(%dma_start3A_237 : memref<624x64xf32, #tpu.memory_space<hbm>>) target_semaphore(%run_scoped3A_236 : memref<!tpu.dma_semaphore, #tpu.memory_space<semaphore_mem>>)
      %dma_wait3A_240 = tpu.memref_slice %arg6[%mul3A_228, %mul3A_230] : memref<10000x128xf32, #tpu.memory_space<hbm>> -> memref<624x64xf32, #tpu.memory_space<hbm>>
      %dma_wait3A_241 = arith.constant 0 : i32
      %dma_wait3A_242 = tpu.memref_slice %arg8[%mul3A_226, %dma_wait3A_241] : memref<10008x64xf32, #tpu.memory_space<vmem_shared>> -> memref<624x64xf32, #tpu.memory_space<vmem_shared>>
      tpu.wait_dma2 semaphore(%run_scoped3A_236 : memref<!tpu.dma_semaphore, #tpu.memory_space<semaphore_mem>>) src(%dma_wait3A_242 : memref<624x64xf32, #tpu.memory_space<vmem_shared>>) dst(%dma_wait3A_240 : memref<624x64xf32, #tpu.memory_space<hbm>>)
      tpu.yield
    }) : () -> ()
    %eq3A_231 = arith.constant 15 : i32
    %eq3A_232 = arith.cmpi eq, %arg1, %eq3A_231 : i32
    %convert_element_type3A_233 = arith.extui %eq3A_232 : i1 to i32
    %cond3A_234 = arith.constant 0 : i32
    %cond3A_235 = arith.cmpi ne, %convert_element_type3A_233, %cond3A_234 : i32
    scf.if %cond3A_235 {
      %mul3A_236 = arith.constant 64 : i32
      %mul3A_237 = arith.muli %arg0, %mul3A_236 : i32
      "tpu.region"() ({
        %run_scoped3A_238 = tpu.sem_alloc : memref<!tpu.dma_semaphore, #tpu.memory_space<semaphore_mem>>
        %dma_start3A_239 = arith.constant 9984 : i32
        %dma_start3A_240 = tpu.memref_slice %arg6[%dma_start3A_239, %mul3A_237] : memref<10000x128xf32, #tpu.memory_space<hbm>> -> memref<16x64xf32, #tpu.memory_space<hbm>>
        %dma_start3A_241 = arith.constant 9984 : i32
        %dma_start3A_242 = arith.constant 0 : i32
        %dma_start3A_243 = tpu.memref_slice %arg8[%dma_start3A_241, %dma_start3A_242] : memref<10008x64xf32, #tpu.memory_space<vmem_shared>> -> memref<16x64xf32, #tpu.memory_space<vmem_shared>>
        tpu.enqueue_dma source(%dma_start3A_243 : memref<16x64xf32, #tpu.memory_space<vmem_shared>>) target(%dma_start3A_240 : memref<16x64xf32, #tpu.memory_space<hbm>>) target_semaphore(%run_scoped3A_238 : memref<!tpu.dma_semaphore, #tpu.memory_space<semaphore_mem>>)
        %dma_wait3A_244 = arith.constant 9984 : i32
        %dma_wait3A_245 = tpu.memref_slice %arg6[%dma_wait3A_244, %mul3A_237] : memref<10000x128xf32, #tpu.memory_space<hbm>> -> memref<16x64xf32, #tpu.memory_space<hbm>>
        %dma_wait3A_246 = arith.constant 9984 : i32
        %dma_wait3A_247 = arith.constant 0 : i32
        %dma_wait3A_248 = tpu.memref_slice %arg8[%dma_wait3A_246, %dma_wait3A_247] : memref<10008x64xf32, #tpu.memory_space<vmem_shared>> -> memref<16x64xf32, #tpu.memory_space<vmem_shared>>
        tpu.wait_dma2 semaphore(%run_scoped3A_238 : memref<!tpu.dma_semaphore, #tpu.memory_space<semaphore_mem>>) src(%dma_wait3A_248 : memref<16x64xf32, #tpu.memory_space<vmem_shared>>) dst(%dma_wait3A_245 : memref<16x64xf32, #tpu.memory_space<hbm>>)
        tpu.yield
      }) : () -> ()
    } else {
    }
    return
  }
}

</mosaic_0001>

<sc_bundles>
// kernel: kernel.3.cloned.1.call-start
scs
__scs_entry_jumppad:
0x0: {  	(pc) =	sbr.rel $0x88, $3  }
0x1: {  	(tag) =	ssettag $0x0;
	lr =	simm.s32 $0x1  }
0x2: {  	[smem:$0x3F9E] =	sst lr;
	_ =	strace $0xD0000000  }
0x3: {  	_ = 	snop  }
0x4: {  	_ = 	snop  }
0x5: {  	_ = 	snop  }
0x6: {  	_ = 	snop  }
0x7: {  	_ = 	snop  }
__scs_overlays_trampoline_lowered:
0x8: {  	[smem:$0x3FAD] =	sst s0  }
0x9: {  	[smem:$0x3FAE] =	sst s1  }
0xa: {  	[smem:$0x3FAF] =	sst s2  }
0xb: {  	[smem:$0x3FB0] =	sst s3  }
0xc: {  	[smem:$0x3FB1] =	sst s4  }
0xd: {  	[smem:$0x3FB2] =	sst s5  }
0xe: {  	[smem:$0x3FB3] =	sst s6  }
0xf: {  	[smem:$0x3FB4] =	sst s7  }
0x10: {  	[smem:$0x3FB5] =	sst s8  }
0x11: {  	[smem:$0x3FB6] =	sst s9;
	s0 =	simm.s32 @!p0 $0x0  }
0x12: {  	s1 =	sld [smem:$0x3F9C];
	s0 =	simm.s32 @p0 $0x1  }
0x13: {  	[smem:$0x3FB7] =	sst s0;
	s0 =	simm.s32 @!p1 $0x0  }
0x14: {  	s2 =	sld [smem:$0x3F9B];
	s0 =	simm.s32 @p1 $0x1  }
0x15: {  	[smem:$0x3FB8] =	sst s0;
	s0 =	simm.s32 @!p2 $0x0  }
0x16: {  	s3 =	sld [smem:$0x3FDB];
	s0 =	simm.s32 @p2 $0x1  }
0x17: {  	s4 =	simm.s32 $0x1BF5;
	[smem:$0x3FBA] =	sst s0  }
0x18: {  	s0 =	sld [smem:$0x3F9D];
	_ =	swait.ge [sflag:s4], $0x0  }
0x19: {  	s7 =	sld [smem:$0x3F9E]  }
0x1a: {  	s8 =	sadd.s32 $0xFFFFE003, lr  }
0x1b: {  	s9 =	sadd.s32 $0xFFFFFEF7, lr;
	s5 =	simm.s32 $0xFFFFFFFF;
	p2 =	slt.u32 s8, $0xFFFFF086  }
0x1c: {  	p1 =	slt.u32 s9, $0xF7A;
	s5 =	simm.s32 @!p2 $0x0  }
0x1d: {  	s5 =	simm.s32 @p1 $0x1;
	p0 =	seq.s32 s7, s2  }
0x1e: {  	s7 =	smul.u32 @!p0 $0xF7A, s2;
	p2 =	seq.s32 @!p0 s5, $0x0  }
0x1f: {  	s9 =	smul.u32 $0xF7A, s1;
	s8 =	simm.s32 @!p0 $0x1BF5;
	p2 =	por !p2, p0  }
0x20: {  	[sflag:s8] =	ssyncset.s32 @!p0 $0xFFFFF086;
	s6 =	sadd.s32 @!p0 s3, s7;
	s7 =	simm.s32 @!p0 $0x108  }
0x21: {  	s3 =	sadd.s32 s3, s9;
	s6 =	sadd.s32 @!p0 $0x88, s6;
	s7 =	simm.s32 @p2 $0x1082  }
0x22: {  	[simem:s7], [sflag:s8] =	dma.local @!p0 [hbm:s6], $0xF7A  }
0x23: {  	s9 =	sor.u32 $0xD0000000, s2;
	s6 =	simm.s32 $0x108;
	_ =	swait.ge @!p0 [sflag:s8], $0x0  }
0x24: {  	s3 =	sadd.s32 $0x88, s3;
	s6 =	simm.s32 @!p1 $0x1082;
	[sflag:s4] =	ssyncset.s32 $0xFFFFF086  }
0x25: {  	[simem:s6], [sflag:s4] =	dma.local [hbm:s3], $0xF7A  }
0x26: {  	[smem:$0x3F9E] =	sst s1;
	(tag) =	ssettag s2;
	_ =	strace s9  }
0x27: {  	s1 =	sld [smem:$0x3FAE]  }
0x28: {  	s2 =	sld [smem:$0x3FAF]  }
0x29: {  	s4 =	sld [smem:$0x3FB1]  }
0x2a: {  	p0 =	seq.s32 s5, $0x0;
	s5 =	sld [smem:$0x3FB2]  }
0x2b: {  	s6 =	sld [smem:$0x3FB3]  }
0x2c: {  	s7 =	sld [smem:$0x3FB4]  }
0x2d: {  	s3 =	simm.s32 $0x108;
	s8 =	sld [smem:$0x3FB5]  }
0x2e: {  	s3 =	simm.s32 @!p0 $0x1082;
	s9 =	sld [smem:$0x3FB6]  }
0x2f: {  	lr =	sadd.s32 s0, s3;
	s0 =	sld [smem:$0x3FAD]  }
0x30: {  	s3 =	sld [smem:$0x3FB0]  }
0x31: {  	[smem:$0x3FB9] =	sst s10  }
0x32: {  	s10 =	sld [smem:$0x3FB7];
	_ =	sdelay $0x3  }
0x33: {  	p0 =	seq.s32 s10, $0x1;
	s10 =	sld [smem:$0x3FB9];
	_ =	sdelay $0x3  }
0x34: {  	[smem:$0x3FB9] =	sst s10  }
0x35: {  	s10 =	sld [smem:$0x3FB8];
	_ =	sdelay $0x3  }
0x36: {  	p1 =	seq.s32 s10, $0x1;
	s10 =	sld [smem:$0x3FB9];
	_ =	sdelay $0x3  }
0x37: {  	[smem:$0x3FB9] =	sst s10  }
0x38: {  	s10 =	sld [smem:$0x3FBA]  }
0x39: {  	_ = 	snop;
	(pc) =	sbr.ind lr, $3  }
0x3a: {  	_ = 	snop  }
0x3b: {  	_ = 	snop  }
0x3c: {  	p2 =	seq.s32 s10, $0x1;
	s10 =	sld [smem:$0x3FB9]  }
0x3d: {  	_ =	shalt  }
0x3e: {  	_ =	shalt  }
0x3f: {  	_ =	shalt  }
0x40: {  	_ =	shalt  }
0x41: {  	_ =	shalt  }
0x42: {  	_ =	shalt  }
0x43: {  	_ =	shalt  }
0x44: {  	_ =	shalt  }
0x45: {  	_ =	shalt  }
0x46: {  	_ =	shalt  }
0x47: {  	_ =	shalt  }
0x48: {  	_ =	shalt  }
0x49: {  	_ =	shalt  }
0x4a: {  	_ =	shalt  }
0x4b: {  	_ =	shalt  }
0x4c: {  	_ =	shalt  }
0x4d: {  	_ =	shalt  }
0x4e: {  	_ =	shalt  }
0x4f: {  	_ =	shalt  }
0x50: {  	_ =	shalt  }
0x51: {  	_ =	shalt  }
0x52: {  	_ =	shalt  }
0x53: {  	_ =	shalt  }
0x54: {  	_ =	shalt  }
0x55: {  	_ =	shalt  }
0x56: {  	_ =	shalt  }
0x57: {  	_ =	shalt  }
0x58: {  	_ =	shalt  }
0x59: {  	_ =	shalt  }
0x5a: {  	_ =	shalt  }
0x5b: {  	_ =	shalt  }
0x5c: {  	_ =	shalt  }
0x5d: {  	_ =	shalt  }
0x5e: {  	_ =	shalt  }
0x5f: {  	_ =	shalt  }
0x60: {  	_ =	shalt  }
0x61: {  	_ =	shalt  }
0x62: {  	_ =	shalt  }
0x63: {  	_ =	shalt  }
0x64: {  	_ =	shalt  }
0x65: {  	_ =	shalt  }
0x66: {  	_ =	shalt  }
0x67: {  	_ =	shalt  }
0x68: {  	_ =	shalt  }
0x69: {  	_ =	shalt  }
0x6a: {  	_ =	shalt  }
0x6b: {  	_ =	shalt  }
0x6c: {  	_ =	shalt  }
0x6d: {  	_ =	shalt  }
0x6e: {  	_ =	shalt  }
0x6f: {  	_ =	shalt  }
0x70: {  	_ =	shalt  }
0x71: {  	_ =	shalt  }
0x72: {  	_ =	shalt  }
0x73: {  	_ =	shalt  }
0x74: {  	_ =	shalt  }
0x75: {  	_ =	shalt  }
0x76: {  	_ =	shalt  }
0x77: {  	_ =	shalt  }
0x78: {  	_ =	shalt  }
0x79: {  	_ =	shalt  }
0x7a: {  	_ =	shalt  }
0x7b: {  	_ =	shalt  }
0x7c: {  	_ =	shalt  }
0x7d: {  	_ =	shalt  }
0x7e: {  	_ =	shalt  }
0x7f: {  	_ =	shalt  }
0x80: {  	_ =	shalt  }
0x81: {  	_ =	shalt  }
0x82: {  	_ =	shalt  }
0x83: {  	_ =	shalt  }
0x84: {  	_ =	shalt  }
0x85: {  	_ =	shalt  }
0x86: {  	_ =	shalt  }
0x87: {  	_ =	shalt  }
.Lfunc_end0:
.L_simem_size_0:
called_computation_lowered:
.L_overlay_start_0:
0x88: {  	s2 =	sld [smem:$0x3FD9]  }
0x89: {  	s3 =	sld [smem:$0x3FFE];
	_ =	sdelay $0x1  }
0x8a: {  	s1 =	srdreg.scid  }
0x8b: {  	s0 =	sand.u32 $0x1, s1  }
0x8c: {  	s17 =	sshll.u32 s0, $0xA;
	s2 =	sadd.s32 s3, s2  }
0x8d: {  	s2 =	sadd.s32 s2, s17  }
0x8e: {  	[smem:$0x3FC5] =	sst s2  }
0x8f: {  	_ = 	snop  }
0x90: {  	s2 =	sld [smem:$0x3FC9]  }
0x91: {  	s18 =	sld [smem:$0x3FD0];
	(tm) =	ssettm $0x1  }
0x92: {  	s4 =	sld [smem:$0x3FFB];
	_ =	sdelay $0x3  }
0x93: {  	_ =	strace s4  }
0x94: {  	s4 =	sld [smem:$0x3FFC];
	_ =	sdelay $0x3  }
0x95: {  	_ =	strace s4  }
0x96: {  	s4 =	sld [smem:$0x3FFD];
	_ =	sdelay $0x3  }
0x97: {  	_ =	strace s4  }
0x98: {  	_ =	strace $0x8FFFFFFF  }
0x99: {  	s19 =	sld [smem:$0x3FDB];
	_ =	sdelay $0x1  }
0x9a: {  	s5 =	simm.s32 $_scs_section_size  }
0x9b: {  	s6 =	simm.s32 $_size__tile_overlayer_lowered;
	s7 =	simm.s32 $_tile_overlayer_lowered  }
0x9c: {  	s22 =	simm.s32 $0x1BFF;
	s21 =	sshll.u32 s7, $0x1;
	s4 =	sadd.s32 s5, s19  }
0x9d: {  	s8 =	simm.s32 $0x0;
	s20 =	sshll.u32 s6, $0x1;
	s6 =	sadd.s32 s21, s4  }
0x9e: {  	[timem:s8], [sflag:s22] =	dma.local [hbm:s6], s20  }
0x9f: {  	_ =	swait.ge [sflag:s22], s20  }
0xa0: {  	s5 =	ssub.s32 $0x0, s20;
	[sflag:s22] =	ssyncset.done $0x0  }
0xa1: {  	[sflag:s22] =	ssyncadd.s32 s5;
	_ =	sdelay $0x1  }
0xa2: {  	s23 =	simm.s32 $0x1B8B  }
0xa3: {  	_ =	swait.ge [sflag:s23], $0x1  }
0xa4: {  	[sflag:s23] =	ssyncset.done $0x0  }
0xa5: {  	s25 =	simm.s32 $0x1B8E;
	s24 =	sld [smem:$0x3FFE];
	[sflag:s23] =	ssyncadd.s32 $0xFFFFFFFF  }
0xa6: {  	s26 =	simm.s32 $execute0_lowered;
	[smem:$0x3FD2] =	sst s25  }
0xa7: {  	s6 =	sshll.u32 s26, $0x1;
	_ =	strace $0x80000046;
	[dreg:$0x1] =	wrdreg $0xFFFFFFFF  }
0xa8: {  	s28 =	simm.s32 $_size_execute0_lowered;
	s4 =	sadd.s32 s4, s6;
	[dreg:$0x0] =	wrdreg $0x0  }
0xa9: {  	s6 =	sshll.u32 s28, $0x1;
	[dreg:$0x2] =	wrdreg s4  }
0xaa: {  	[dreg:$0x3] =	wrdreg s6  }
0xab: {  	[dreg:$0x4] =	wrdreg $0xC0  }
0xac: {  	_ =	task [dreg:s8], $0x5FFFF  }
0xad: {  	[dreg:$0x1] =	wrdreg $0xFFFFFFFF  }
0xae: {  	[dreg:$0x0] =	wrdreg $0x60  }
0xaf: {  	[dreg:$0x2] =	wrdreg s2  }
0xb0: {  	[dreg:$0x3] =	wrdreg s24  }
0xb1: {  	[dreg:$0x4] =	wrdreg s18  }
0xb2: {  	[dreg:$0x5] =	wrdreg $0x0  }
0xb3: {  	[dreg:$0x6] =	wrdreg $0x9C400  }
0xb4: {  	[dreg:$0x7] =	wrdreg $0x9  }
0xb5: {  	_ =	task.clear_ibuf [dreg:s8], $0x8FFFF;
	_ =	strace $0x90000046  }
0xb6: {  	s29 =	simm.s32 $0x9;
	_ =	strace $0x80000048  }
0xb7: {  	_ =	swait.ge [sflag:s29], $0x1  }
0xb8: {  	[sflag:s29] =	ssyncadd.s32 $0xFFFFFFFF  }
0xb9: {  	_ =	strace $0x90000048  }
0xba: {  	_ =	sfence  }
0xbb: {  	s30 =	sld [smem:$0x0];
	_ =	sdelay $0x2  }
0xbc: {  	s31 =	sshll.u32 s1, $0xD;
	s1 =	sshrl.u32 s1, $0x2  }
0xbd: {  	s3 =	sand.u32 $0x4000, s31;
	s1 =	sadd.s32 s1, s30  }
0xbe: {  	s0 =	sor.u32 s3, s0;
	s1 =	sshll.u32 s1, $0x11  }
0xbf: {  	s0 =	sor.u32 s1, s0  }
0xc0: {  	s0 =	sadd.s32 $0x8F2B, s0  }
0xc1: {  	[sflag:s0] =	ssyncadd.remote.s32 $0x1  }
0xc2: {  	_ =	sfence.sel $0xFFFF  }
0xc3: {  	[dreg:$0x0] =	wrdreg $0xFFFFFFFF;
	(pc) =	sbr.abs _section_cstart, $3  }
0xc4: {  	[dreg:$0x1] =	wrdreg $0xFFFFFFFF  }
0xc5: {  	_ =	task.clear_ibuf [dreg:s8], $0x2FFFF;
	_ =	strace $0x9FFFFFFF  }
0xc6: {  	(tm) =	ssettm $0x7FFFFFFF  }
0xc7: {  	_ =	shalt  }
tec
execute0_lowered:
.L_overlay_start_1:
0x0: {  	(tag) =	ssettag $0x1  }
0x1: {  	s0 =	rddreg [dreg:$0x0]  }
0x2: {  	s4 =	rddreg [dreg:$0x1]  }
0x3: {  	s5 =	rddreg [dreg:$0x2]  }
0x4: {  	s1 =	rddreg [dreg:$0x3]  }
0x5: {  	s2 =	rddreg [dreg:$0x4];
	s15 =	stileid.u32  }
0x6: {  	s3 =	simm.s32 $0x0;
	s6 =	srdreg.scid;
	s9 =	smul.u32 $0x13800, s15  }
0x7: {  	[smem:$0x7FF] =	sst s3;
	s7 =	sadd.s32 $0x9E00, s4;
	s12 =	smul.u32 $0x9C00, s15  }
0x8: {  	s8 =	sand.u32 $0x1, s6;
	s20 =	sadd.s32 $0x13C00, s4;
	s22 =	smul.u32 $0x4F00, s15  }
0x9: {  	s28 =	sshll.u32 s15, $0x6;
	p0 =	sne.s32 s15, $0xF;
	s30 =	sadd.s32 $0x9C000, s1  }
0xa: {  	s31 =	sadd.s32 $0x9C000, s2;
	s15 =	simm.s32 $0x4;
	_ =	strace $0x80000047  }
0xb: {  	[dreg:$0x6] =	wrdreg s20;
	s21 =	ssub.s32 $0x2, s8;
	s11 =	sshll.u32 s8, $0x6  }
0xc: {  	s8 =	sshll.u32 s8, $0x3;
	s29 =	sor.u32 $0x1C08, s28;
	s10 =	sshrl.u32 s21, $0x1  }
0xd: {  	s9 =	sor.u32 s11, s9;
	s6 =	sadd.s32 s12, s1;
	s23 =	sshrl.u32 s22, $0x3  }
0xe: {  	s25 =	sadd.s32 $0x1A00, s12;
	s14 =	sadd.s32 $0x3400, s12;
	s17 =	sadd.s32 $0x4E00, s12  }
0xf: {  	s10 =	ssub.s32 s21, s10;
	s9 =	sshrl.u32 s9, $0x3;
	s11 =	sadd.s32 s7, s23  }
0x10: {  	s24 =	sadd.s32 s4, s23;
	s16 =	sadd.s32 s25, s1;
	[dreg:$0x8] =	wrdreg s11  }
0x11: {  	s26 =	sadd.s32 s14, s1;
	s18 =	sadd.s32 s17, s1;
	[dreg:$0x9] =	wrdreg s24  }
0x12: {  	s21 =	sadd.s32 $0x6800, s12;
	s13 =	sadd.s32 s0, s9;
	[dreg:$0xb] =	wrdreg s16  }
0x13: {  	s0 =	sadd.s32 s8, s0;
	s11 =	sadd.s32 s12, s2;
	[dreg:$0xd] =	wrdreg s26  }
0x14: {  	s16 =	sadd.s32 s14, s2;
	[dreg:$0xf] =	wrdreg s18;
	s22 =	sadd.s32 s5, s9  }
0x15: {  	s24 =	sadd.s32 s21, s1;
	s9 =	simm.s32 $0x1C7A0;
	[dreg:$0x7] =	wrdreg s13  }
0x16: {  	s14 =	simm.s32 $0x6;
	s0 =	sadd.s32 $0x27000, s0;
	[dreg:$0xe] =	wrdreg s16  }
0x17: {  	s13 =	sadd.s32 $0x4F0, s23;
	[dreg:$0x13] =	wrdreg s22;
	s23 =	sadd.s32 s8, s5  }
0x18: {  	[dreg:$0x14] =	wrdreg s24;
	s5 =	simm.s32 $0x10;
	s8 =	simm.s32 $0x9  }
0x19: {  	s16 =	simm.s32 $0x0;
	[dreg:$0xa] =	wrdreg s0;
	s0 =	sadd.s32 s25, s2  }
0x1a: {  	s19 =	sadd.s32 s7, s13;
	s20 =	sadd.s32 s4, s13;
	s25 =	sadd.s32 $0x8200, s12  }
0x1b: {  	s4 =	simm.s32 $0x8;
	s7 =	simm.s32 $0x138A0;
	[dreg:$0xc] =	wrdreg s0  }
0x1c: {  	s12 =	simm.s32 $0x80;
	s13 =	simm.s32 $0x187A0;
	[dreg:$0x11] =	wrdreg s19  }
0x1d: {  	s0 =	sadd.s32 s17, s2;
	[dreg:$0x12] =	wrdreg s20;
	s26 =	sadd.s32 s25, s1  }
0x1e: {  	s24 =	sadd.s32 s25, s2;
	s25 =	sadd.s32 $0x27000, s23;
	[dreg:$0x10] =	wrdreg s0  }
0x1f: {  	s0 =	sadd.s32 s21, s2;
	[dreg:$0x16] =	wrdreg s26;
	s26 =	smax.u32 s10, $0x1  }
0x20: {  	s10 =	simm.s32 $0x7;
	[dreg:$0x15] =	wrdreg s0;
	s0 =	simm.s32 $0x1  }
.LBB2_1:
0x21: {  	s17 =	sshrl.u32 s6, $0x3;
	s18 =	rddreg [dreg:$0x7]  }
0x22: {  	[spmem:s17@s4], [sflag:s29] =	dma.strided [hbm:s18@s5], $0x1380, s0, $0x8   }
0x23: {  	s17 =	rddreg [dreg:$0x8]  }
0x24: {  	[tilespmem:s7], [sflag:$0x7] =	stream.linear.gather [hbm4b:s17+s3], $0x2780, $0x38;
	[tilespmem:$0x1E7B0] =	vst v63  }
0x25: {  	s21 =	simm.s32 $0x16020;
	s20 =	rddreg [dreg:$0x9]  }
0x26: {  	[tilespmem:s21], [sflag:$0x7] =	stream.linear.gather [hbm4b:s20+s3], $0x2780, $0x38;
	[tilespmem:$0x1E7B0] =	vst v63  }
0x27: {  	s23 =	simm.s32 $0x1E7A0;
	s22 =	rddreg [dreg:$0x6]  }
0x28: {  	[tilespmem:s23], [sflag:$0x9] =	stream.linear.gather [hbm4b:s22+s3], $0x10, $0x38;
	[tilespmem:$0x1E7B0] =	vst v63  }
0x29: {  	s19 =	simm.s32 @!p0 $0x8;
	s18 =	simm.s32 @!p0 $0x1;
	_ =	swait.ge [sflag:s8], $0x10  }
0x2a: {  	s17 =	sshrl.u32 @!p0 s30, $0x3;
	s20 =	simm.s32 @!p0 $0x10;
	[sflag:s8] =	ssyncset.done $0x0  }
0x2b: {  	s21 =	simm.s32 @!p0 $0x1FC9;
	s22 =	rddreg [dreg:$0xa];
	[sflag:s8] =	ssyncadd.s32 $0xFFFFFFF0  }
0x2c: {  	v0 =	vld [tilespmem:$0x1E7A0];
	[spmem:s17@s19], [sflag:s21] =	dma.strided @!p0 [hbm:s22@s20], $0x80, s18, $0x8   }
0x2d: {  	s17 =	simm.s32 @!p0 $0x9  }
0x2e: {  	_ =	swait.ge @!p0 [sflag:s17], $0x80  }
0x2f: {  	[sflag:s17] =	ssyncset.done @!p0 $0x0  }
0x30: {  	[sflag:s17] =	ssyncadd.s32 @!p0 $0xFFFFFF80  }
0x31: {  	_ =	swait.ge [sflag:s4], $0x1380  }
0x32: {  	[sflag:s4] =	ssyncset.done $0x0  }
0x33: {  	[sflag:s4] =	ssyncadd.s32 $0xFFFFEC80  }
0x34: {  	[tilespmem:s9], [sflag:$0x9] =	stream.linear.gather [spmem:s6], $0x1A00, $0x38;
	[tilespmem:$0x1E7B0] =	vst v63  }
0x35: {  	_ =	swait.ge [sflag:s8], $0x1A00  }
0x36: {  	[sflag:s8] =	ssyncset.done $0x0  }
0x37: {  	s17 =	simm.s32 $0x0;
	[sflag:s8] =	ssyncadd.s32 $0xFFFFE600  }
0x38: {  	v1 =	vld [tilespmem:s17+$0x1C7A0]  }
0x39: {  	v3 =	vld [tilespmem:s17+$0x1C7B0]  }
0x3a: {  	s18 =	simm.s32 $0x100;
	v0 =	vadd.f32 $1.000000000e+00, v0;
	v2 =	vld [tilespmem:s17+$0x1C7C0]  }
.LBB2_2:
0x3b: {  	p1 =	sne.s32 s18, $0x6700;
	v4 =	vld [tilespmem:s17+$0x1C7D0];
	_ =	sdelay $0x1  }
0x3c: {  	v1 =	vmul.f32 v1, v0  }
.Ltmp0:
0x3d: {  	v3 =	vmul.f32 v3, v0;
	(pc) =	sbr.rel @p1 .LBB2_2-.Ltmp0, $4  }
0x3e: {  	s19 =	sshra.s32 s18, $0x2;
	[tilespmem:s17+$0x1C7A0] =	vst v1;
	v2 =	vmul.f32 v2, v0  }
0x3f: {  	v1 =	vld [tilespmem:s19+$0x1C7A0];
	[tilespmem:s17+$0x1C7B0] =	vst v3;
	v4 =	vmul.f32 v4, v0  }
0x40: {  	v3 =	vld [tilespmem:s19+$0x1C7B0];
	[tilespmem:s17+$0x1C7C0] =	vst v2  }
0x41: {  	s18 =	sadd.s32 $0x100, s18;
	v2 =	vld [tilespmem:s19+$0x1C7C0];
	[tilespmem:s17+$0x1C7D0] =	vst v4;
	s17 =	smov.u32 s19  }
0x42: {  	v4 =	vld [tilespmem:s17+$0x1C7D0];
	_ =	sdelay $0x1  }
0x43: {  	v1 =	vmul.f32 v1, v0  }
0x44: {  	v3 =	vmul.f32 v3, v0  }
0x45: {  	[tilespmem:s17+$0x1C7A0] =	vst v1;
	v1 =	vmul.f32 v2, v0  }
0x46: {  	[tilespmem:s17+$0x1C7B0] =	vst v3;
	v2 =	vmul.f32 v4, v0  }
0x47: {  	[tilespmem:s17+$0x1C7C0] =	vst v1  }
0x48: {  	[tilespmem:s17+$0x1C7D0] =	vst v2  }
0x49: {  	[spmem:s11] =	stream.linear.scatter [tilespmem:s9], [sflag:$0x9], $0x1A00, $0x38;
	[tilespmem:$0x1E7B0] =	vst v63  }
0x4a: {  	_ =	swait.ge [sflag:s8], $0x1A00  }
0x4b: {  	[sflag:s8] =	ssyncset.done $0x0  }
0x4c: {  	s23 =	rddreg [dreg:$0xb];
	[sflag:s8] =	ssyncadd.s32 $0xFFFFE600  }
0x4d: {  	[tilespmem:s9], [sflag:$0x9] =	stream.linear.gather [spmem:s23], $0x1A00, $0x38;
	[tilespmem:$0x1E7B0] =	vst v63  }
0x4e: {  	_ =	swait.ge [sflag:s8], $0x1A00  }
0x4f: {  	[sflag:s8] =	ssyncset.done $0x0  }
0x50: {  	s17 =	simm.s32 $0x0;
	[sflag:s8] =	ssyncadd.s32 $0xFFFFE600  }
0x51: {  	v1 =	vld [tilespmem:s17+$0x1C7A0]  }
0x52: {  	v3 =	vld [tilespmem:s17+$0x1C7B0]  }
0x53: {  	s18 =	simm.s32 $0x100;
	v2 =	vld [tilespmem:s17+$0x1C7C0]  }
.LBB2_4:
0x54: {  	p1 =	sne.s32 s18, $0x6700;
	v4 =	vld [tilespmem:s17+$0x1C7D0];
	_ =	sdelay $0x1  }
0x55: {  	v1 =	vmul.f32 v1, v0  }
.Ltmp1:
0x56: {  	v3 =	vmul.f32 v3, v0;
	(pc) =	sbr.rel @p1 .LBB2_4-.Ltmp1, $4  }
0x57: {  	s19 =	sshra.s32 s18, $0x2;
	[tilespmem:s17+$0x1C7A0] =	vst v1;
	v2 =	vmul.f32 v2, v0  }
0x58: {  	v1 =	vld [tilespmem:s19+$0x1C7A0];
	[tilespmem:s17+$0x1C7B0] =	vst v3;
	v4 =	vmul.f32 v4, v0  }
0x59: {  	v3 =	vld [tilespmem:s19+$0x1C7B0];
	[tilespmem:s17+$0x1C7C0] =	vst v2  }
0x5a: {  	s18 =	sadd.s32 $0x100, s18;
	v2 =	vld [tilespmem:s19+$0x1C7C0];
	[tilespmem:s17+$0x1C7D0] =	vst v4;
	s17 =	smov.u32 s19  }
0x5b: {  	v4 =	vld [tilespmem:s17+$0x1C7D0];
	_ =	sdelay $0x1  }
0x5c: {  	v1 =	vmul.f32 v1, v0  }
0x5d: {  	v3 =	vmul.f32 v3, v0  }
0x5e: {  	[tilespmem:s17+$0x1C7A0] =	vst v1;
	v1 =	vmul.f32 v2, v0  }
0x5f: {  	[tilespmem:s17+$0x1C7B0] =	vst v3;
	v2 =	vmul.f32 v4, v0  }
0x60: {  	[tilespmem:s17+$0x1C7C0] =	vst v1  }
0x61: {  	s22 =	rddreg [dreg:$0xc];
	[tilespmem:s17+$0x1C7D0] =	vst v2  }
0x62: {  	[spmem:s22] =	stream.linear.scatter [tilespmem:s9], [sflag:$0x9], $0x1A00, $0x38;
	[tilespmem:$0x1E7B0] =	vst v63  }
0x63: {  	_ =	swait.ge [sflag:s8], $0x1A00  }
0x64: {  	[sflag:s8] =	ssyncset.done $0x0  }
0x65: {  	s23 =	rddreg [dreg:$0xd];
	[sflag:s8] =	ssyncadd.s32 $0xFFFFE600  }
0x66: {  	[tilespmem:s9], [sflag:$0x9] =	stream.linear.gather [spmem:s23], $0x1A00, $0x38;
	[tilespmem:$0x1E7B0] =	vst v63  }
0x67: {  	_ =	swait.ge [sflag:s8], $0x1A00  }
0x68: {  	[sflag:s8] =	ssyncset.done $0x0  }
0x69: {  	s17 =	simm.s32 $0x0;
	[sflag:s8] =	ssyncadd.s32 $0xFFFFE600  }
0x6a: {  	v1 =	vld [tilespmem:s17+$0x1C7A0]  }
0x6b: {  	v3 =	vld [tilespmem:s17+$0x1C7B0]  }
0x6c: {  	s18 =	simm.s32 $0x100;
	v2 =	vld [tilespmem:s17+$0x1C7C0]  }
.LBB2_6:
0x6d: {  	p1 =	sne.s32 s18, $0x6700;
	v4 =	vld [tilespmem:s17+$0x1C7D0];
	_ =	sdelay $0x1  }
0x6e: {  	v1 =	vmul.f32 v1, v0  }
.Ltmp2:
0x6f: {  	v3 =	vmul.f32 v3, v0;
	(pc) =	sbr.rel @p1 .LBB2_6-.Ltmp2, $4  }
0x70: {  	s19 =	sshra.s32 s18, $0x2;
	[tilespmem:s17+$0x1C7A0] =	vst v1;
	v2 =	vmul.f32 v2, v0  }
0x71: {  	v1 =	vld [tilespmem:s19+$0x1C7A0];
	[tilespmem:s17+$0x1C7B0] =	vst v3;
	v4 =	vmul.f32 v4, v0  }
0x72: {  	v3 =	vld [tilespmem:s19+$0x1C7B0];
	[tilespmem:s17+$0x1C7C0] =	vst v2  }
0x73: {  	s18 =	sadd.s32 $0x100, s18;
	v2 =	vld [tilespmem:s19+$0x1C7C0];
	[tilespmem:s17+$0x1C7D0] =	vst v4;
	s17 =	smov.u32 s19  }
0x74: {  	v4 =	vld [tilespmem:s17+$0x1C7D0];
	_ =	sdelay $0x1  }
0x75: {  	v1 =	vmul.f32 v1, v0  }
0x76: {  	v3 =	vmul.f32 v3, v0  }
0x77: {  	[tilespmem:s17+$0x1C7A0] =	vst v1;
	v1 =	vmul.f32 v2, v0  }
0x78: {  	[tilespmem:s17+$0x1C7B0] =	vst v3;
	v2 =	vmul.f32 v4, v0  }
0x79: {  	[tilespmem:s17+$0x1C7C0] =	vst v1  }
0x7a: {  	s22 =	rddreg [dreg:$0xe];
	[tilespmem:s17+$0x1C7D0] =	vst v2  }
0x7b: {  	[spmem:s22] =	stream.linear.scatter [tilespmem:s9], [sflag:$0x9], $0x1A00, $0x38;
	[tilespmem:$0x1E7B0] =	vst v63  }
0x7c: {  	_ =	swait.ge [sflag:s8], $0x1A00  }
0x7d: {  	[sflag:s8] =	ssyncset.done $0x0  }
0x7e: {  	s23 =	rddreg [dreg:$0xf];
	[sflag:s8] =	ssyncadd.s32 $0xFFFFE600  }
0x7f: {  	[tilespmem:s9], [sflag:$0x9] =	stream.linear.gather [spmem:s23], $0x1A00, $0x38;
	[tilespmem:$0x1E7B0] =	vst v63  }
0x80: {  	_ =	swait.ge [sflag:s8], $0x1A00  }
0x81: {  	[sflag:s8] =	ssyncset.done $0x0  }
0x82: {  	s17 =	simm.s32 $0x0;
	[sflag:s8] =	ssyncadd.s32 $0xFFFFE600  }
0x83: {  	v1 =	vld [tilespmem:s17+$0x1C7A0]  }
0x84: {  	v3 =	vld [tilespmem:s17+$0x1C7B0]  }
0x85: {  	s18 =	simm.s32 $0x100;
	v2 =	vld [tilespmem:s17+$0x1C7C0]  }
.LBB2_8:
0x86: {  	p1 =	sne.s32 s18, $0x6700;
	v4 =	vld [tilespmem:s17+$0x1C7D0];
	_ =	sdelay $0x1  }
0x87: {  	v1 =	vmul.f32 v1, v0  }
.Ltmp3:
0x88: {  	v3 =	vmul.f32 v3, v0;
	(pc) =	sbr.rel @p1 .LBB2_8-.Ltmp3, $4  }
0x89: {  	s19 =	sshra.s32 s18, $0x2;
	[tilespmem:s17+$0x1C7A0] =	vst v1;
	v2 =	vmul.f32 v2, v0  }
0x8a: {  	v1 =	vld [tilespmem:s19+$0x1C7A0];
	[tilespmem:s17+$0x1C7B0] =	vst v3;
	v4 =	vmul.f32 v4, v0  }
0x8b: {  	v3 =	vld [tilespmem:s19+$0x1C7B0];
	[tilespmem:s17+$0x1C7C0] =	vst v2  }
0x8c: {  	s18 =	sadd.s32 $0x100, s18;
	v2 =	vld [tilespmem:s19+$0x1C7C0];
	[tilespmem:s17+$0x1C7D0] =	vst v4;
	s17 =	smov.u32 s19  }
0x8d: {  	v4 =	vld [tilespmem:s17+$0x1C7D0];
	_ =	sdelay $0x1  }
0x8e: {  	v1 =	vmul.f32 v1, v0  }
0x8f: {  	v3 =	vmul.f32 v3, v0  }
0x90: {  	[tilespmem:s17+$0x1C7A0] =	vst v1;
	v1 =	vmul.f32 v2, v0  }
0x91: {  	[tilespmem:s17+$0x1C7B0] =	vst v3;
	v2 =	vmul.f32 v4, v0  }
0x92: {  	[tilespmem:s17+$0x1C7C0] =	vst v1  }
0x93: {  	s22 =	rddreg [dreg:$0x10];
	[tilespmem:s17+$0x1C7D0] =	vst v2  }
0x94: {  	[spmem:s22] =	stream.linear.scatter [tilespmem:s9], [sflag:$0x9], $0x1A00, $0x38;
	[tilespmem:$0x1E7B0] =	vst v63  }
0x95: {  	_ =	swait.ge [sflag:s8], $0x1A00  }
0x96: {  	[sflag:s8] =	ssyncset.done $0x0  }
0x97: {  	s23 =	rddreg [dreg:$0x14];
	[sflag:s8] =	ssyncadd.s32 $0xFFFFE600  }
0x98: {  	[tilespmem:s9], [sflag:$0x9] =	stream.linear.gather [spmem:s23], $0x1A00, $0x38;
	[tilespmem:$0x1E7B0] =	vst v63  }
0x99: {  	_ =	swait.ge [sflag:s8], $0x1A00  }
0x9a: {  	[sflag:s8] =	ssyncset.done $0x0  }
0x9b: {  	s17 =	simm.s32 $0x0;
	[sflag:s8] =	ssyncadd.s32 $0xFFFFE600  }
0x9c: {  	v1 =	vld [tilespmem:s17+$0x1C7A0]  }
0x9d: {  	v3 =	vld [tilespmem:s17+$0x1C7B0]  }
0x9e: {  	s18 =	simm.s32 $0x100;
	v2 =	vld [tilespmem:s17+$0x1C7C0]  }
.LBB2_10:
0x9f: {  	p1 =	sne.s32 s18, $0x6700;
	v4 =	vld [tilespmem:s17+$0x1C7D0];
	_ =	sdelay $0x1  }
0xa0: {  	v1 =	vmul.f32 v1, v0  }
.Ltmp4:
0xa1: {  	v3 =	vmul.f32 v3, v0;
	(pc) =	sbr.rel @p1 .LBB2_10-.Ltmp4, $4  }
0xa2: {  	s19 =	sshra.s32 s18, $0x2;
	[tilespmem:s17+$0x1C7A0] =	vst v1;
	v2 =	vmul.f32 v2, v0  }
0xa3: {  	v1 =	vld [tilespmem:s19+$0x1C7A0];
	[tilespmem:s17+$0x1C7B0] =	vst v3;
	v4 =	vmul.f32 v4, v0  }
0xa4: {  	v3 =	vld [tilespmem:s19+$0x1C7B0];
	[tilespmem:s17+$0x1C7C0] =	vst v2  }
0xa5: {  	s18 =	sadd.s32 $0x100, s18;
	v2 =	vld [tilespmem:s19+$0x1C7C0];
	[tilespmem:s17+$0x1C7D0] =	vst v4;
	s17 =	smov.u32 s19  }
0xa6: {  	v4 =	vld [tilespmem:s17+$0x1C7D0];
	_ =	sdelay $0x1  }
0xa7: {  	v1 =	vmul.f32 v1, v0  }
0xa8: {  	v3 =	vmul.f32 v3, v0  }
0xa9: {  	[tilespmem:s17+$0x1C7A0] =	vst v1;
	v1 =	vmul.f32 v2, v0  }
0xaa: {  	[tilespmem:s17+$0x1C7B0] =	vst v3;
	v2 =	vmul.f32 v4, v0  }
0xab: {  	[tilespmem:s17+$0x1C7C0] =	vst v1  }
0xac: {  	s22 =	rddreg [dreg:$0x15];
	[tilespmem:s17+$0x1C7D0] =	vst v2  }
0xad: {  	[spmem:s22] =	stream.linear.scatter [tilespmem:s9], [sflag:$0x9], $0x1A00, $0x38;
	[tilespmem:$0x1E7B0] =	vst v63  }
0xae: {  	_ =	swait.ge [sflag:s8], $0x1A00  }
0xaf: {  	[sflag:s8] =	ssyncset.done $0x0  }
0xb0: {  	s23 =	rddreg [dreg:$0x16];
	[sflag:s8] =	ssyncadd.s32 $0xFFFFE600  }
0xb1: {  	[tilespmem:s9], [sflag:$0x9] =	stream.linear.gather [spmem:s23], $0x1A00, $0x38;
	[tilespmem:$0x1E7B0] =	vst v63  }
0xb2: {  	_ =	swait.ge [sflag:s8], $0x1A00  }
0xb3: {  	[sflag:s8] =	ssyncset.done $0x0  }
0xb4: {  	s17 =	simm.s32 $0x0;
	[sflag:s8] =	ssyncadd.s32 $0xFFFFE600  }
0xb5: {  	v1 =	vld [tilespmem:s17+$0x1C7A0]  }
0xb6: {  	v3 =	vld [tilespmem:s17+$0x1C7B0]  }
0xb7: {  	s18 =	simm.s32 $0x100;
	v2 =	vld [tilespmem:s17+$0x1C7C0]  }
.LBB2_12:
0xb8: {  	p1 =	sne.s32 s18, $0x6700;
	v4 =	vld [tilespmem:s17+$0x1C7D0];
	_ =	sdelay $0x1  }
0xb9: {  	v1 =	vmul.f32 v1, v0  }
.Ltmp5:
0xba: {  	v3 =	vmul.f32 v3, v0;
	(pc) =	sbr.rel @p1 .LBB2_12-.Ltmp5, $4  }
0xbb: {  	s19 =	sshra.s32 s18, $0x2;
	[tilespmem:s17+$0x1C7A0] =	vst v1;
	v2 =	vmul.f32 v2, v0  }
0xbc: {  	v1 =	vld [tilespmem:s19+$0x1C7A0];
	[tilespmem:s17+$0x1C7B0] =	vst v3;
	v4 =	vmul.f32 v4, v0  }
0xbd: {  	v3 =	vld [tilespmem:s19+$0x1C7B0];
	[tilespmem:s17+$0x1C7C0] =	vst v2  }
0xbe: {  	s18 =	sadd.s32 $0x100, s18;
	v2 =	vld [tilespmem:s19+$0x1C7C0];
	[tilespmem:s17+$0x1C7D0] =	vst v4;
	s17 =	smov.u32 s19  }
0xbf: {  	v4 =	vld [tilespmem:s17+$0x1C7D0];
	_ =	sdelay $0x1  }
0xc0: {  	v1 =	vmul.f32 v1, v0  }
0xc1: {  	v3 =	vmul.f32 v3, v0  }
0xc2: {  	[tilespmem:s17+$0x1C7A0] =	vst v1;
	v1 =	vmul.f32 v2, v0  }
0xc3: {  	[tilespmem:s17+$0x1C7B0] =	vst v3;
	v2 =	vmul.f32 v4, v0  }
0xc4: {  	[tilespmem:s17+$0x1C7C0] =	vst v1  }
.Ltmp6:
0xc5: {  	[tilespmem:s17+$0x1C7D0] =	vst v2;
	(pc) =	sbr.rel @p0 .LBB2_17-.Ltmp6, $4  }
0xc6: {  	[spmem:s24] =	stream.linear.scatter [tilespmem:s9], [sflag:$0x9], $0x1A00, $0x38;
	[tilespmem:$0x1E7B0] =	vst v63  }
0xc7: {  	_ =	swait.ge [sflag:s8], $0x1A00  }
0xc8: {  	[sflag:s8] =	ssyncset.done $0x0  }
0xc9: {  	[sflag:s8] =	ssyncadd.s32 $0xFFFFE600  }
0xca: {  	[tilespmem:s9], [sflag:$0x9] =	stream.linear.gather [spmem:s30], $0x400, $0x38;
	[tilespmem:$0x1E7B0] =	vst v63  }
0xcb: {  	_ =	swait.ge [sflag:s8], $0x400  }
0xcc: {  	[sflag:s8] =	ssyncset.done $0x0  }
0xcd: {  	s17 =	simm.s32 $0x0;
	[sflag:s8] =	ssyncadd.s32 $0xFFFFFC00  }
0xce: {  	v1 =	vld [tilespmem:s17+$0x1C7A0]  }
0xcf: {  	v3 =	vld [tilespmem:s17+$0x1C7B0]  }
0xd0: {  	s18 =	simm.s32 $0x100;
	v2 =	vld [tilespmem:s17+$0x1C7C0]  }
.LBB2_15:
0xd1: {  	p1 =	sne.s32 s18, $0xF00;
	v4 =	vld [tilespmem:s17+$0x1C7D0];
	_ =	sdelay $0x1  }
0xd2: {  	v1 =	vmul.f32 v1, v0  }
.Ltmp7:
0xd3: {  	v3 =	vmul.f32 v3, v0;
	(pc) =	sbr.rel @p1 .LBB2_15-.Ltmp7, $4  }
0xd4: {  	s19 =	sshra.s32 s18, $0x2;
	[tilespmem:s17+$0x1C7A0] =	vst v1;
	v2 =	vmul.f32 v2, v0  }
0xd5: {  	v1 =	vld [tilespmem:s19+$0x1C7A0];
	[tilespmem:s17+$0x1C7B0] =	vst v3;
	v4 =	vmul.f32 v4, v0  }
0xd6: {  	v3 =	vld [tilespmem:s19+$0x1C7B0];
	[tilespmem:s17+$0x1C7C0] =	vst v2  }
0xd7: {  	s18 =	sadd.s32 $0x100, s18;
	v2 =	vld [tilespmem:s19+$0x1C7C0];
	[tilespmem:s17+$0x1C7D0] =	vst v4;
	s17 =	smov.u32 s19  }
0xd8: {  	v4 =	vld [tilespmem:s17+$0x1C7D0];
	_ =	sdelay $0x1  }
0xd9: {  	v1 =	vmul.f32 v1, v0  }
0xda: {  	v3 =	vmul.f32 v3, v0  }
0xdb: {  	[tilespmem:s17+$0x1C7A0] =	vst v1;
	v62 =	vmul.f32 v2, v0  }
0xdc: {  	[tilespmem:s17+$0x1C7B0] =	vst v3;
	v63 =	vmul.f32 v4, v0  }
0xdd: {  	[tilespmem:s17+$0x1C7C0] =	vst v62  }
0xde: {  	[tilespmem:s17+$0x1C7D0] =	vst v63  }
0xdf: {  	[spmem:s31] =	stream.linear.scatter [tilespmem:s9], [sflag:$0x9], $0x400, $0x38;
	[tilespmem:$0x1E7B0] =	vst v63  }
0xe0: {  	_ =	swait.ge [sflag:s8], $0x400  }
0xe1: {  	[sflag:s8] =	ssyncset.done $0x0  }
0xe2: {  	[sflag:s8] =	ssyncadd.s32 $0xFFFFFC00  }
.LBB2_17:
0xe3: {  	[bflag:$0x0] =	sbarrier.arrive $0xFFFF  }
0xe4: {  	_ =	swait.ge [sflag:s10], $0x2780  }
0xe5: {  	[sflag:s10] =	ssyncset.done $0x0  }
0xe6: {  	[sflag:s10] =	ssyncadd.s32 $0xFFFFD880  }
0xe7: {  	_ =	swait.ge [sflag:s10], $0x2780  }
0xe8: {  	s20 =	simm.s32 $0x0;
	[sflag:s10] =	ssyncset.done $0x0  }
0xe9: {  	s17 =	simm.s32 $0x16020;
	s18 =	simm.s32 $0x13920;
	[sflag:s10] =	ssyncadd.s32 $0xFFFFD880  }
0xea: {  	[tilespmem:s13], [sflag:$0x1] =	stream.indirect.gather [spmem:s1], $0x40, s7, s12, $0xb8;
	[tilespmem:$0x1E7B0] =	vst v63  }
.LBB2_18:
0xeb: {  	s21 =	smul.u32 $0xAB, s20;
	_ =	sdelay $0x1  }
0xec: {  	s19 =	sadd.s32 $0xAB, s21  }
0xed: {  	s19 =	sshrl.u32 s19, $0x9  }
0xee: {  	s19 =	sand.u32 $0x7F, s19  }
0xef: {  	s22 =	smul.u32 $0x3, s19  }
0xf0: {  	s19 =	sadd.s32 $0x1, s20  }
0xf1: {  	s22 =	ssub.s32 s19, s22  }
0xf2: {  	p1 =	slt.u32 s20, $0x2;
	s22 =	sand.u32 $0xFF, s22  }
0xf3: {  	s23 =	sadd.s32 @!p1 $0x4, s22  }
0xf4: {  	p2 =	seq.s32 @!p1 s20, $0x4E;
	_ =	swait.ge @!p1 [sflag:s23], $0x2000  }
0xf5: {  	p2 =	por p1, !p2;
	s21 =	sshrl.u32 s21, $0x9;
	[sflag:s23] =	ssyncset.done @!p1 $0x0  }
0xf6: {  	s21 =	sand.u32 $0x7F, s21;
	[sflag:s23] =	ssyncadd.s32 @!p1 $0xFFFFE000;
	s23 =	sshll.u32 @p2 s22, $0xD  }
0xf7: {  	s21 =	smul.u32 $0x3, s21;
	s22 =	sadd.s32 @p2 $0x1, s22;
	s23 =	sadd.s32 @p2 $0x187A0, s23  }
0xf8: {  	[tilespmem:s23], [sflag:s22] =	stream.indirect.gather @p2 [spmem:s1], $0x40, s18, s12, $0xb8;
	[tilespmem:$0x1E7B0] =	vst v63  }
0xf9: {  	s22 =	ssub.s32 s20, s21  }
0xfa: {  	s20 =	sand.u32 $0xFF, s22  }
0xfb: {  	p1 =	sne.s32 s19, $0x4F;
	s21 =	sadd.s32 $0x1, s20  }
.Ltmp8:
0xfc: {  	_ =	swait.ge [sflag:s21], $0x2000;
	(pc) =	sbr.rel @p1 .LBB2_18-.Ltmp8, $4  }
0xfd: {  	s23 =	sshll.u32 s20, $0xD;
	[sflag:s21] =	ssyncset.done $0x0  }
0xfe: {  	s20 =	sadd.s32 $0x4, s20;
	s22 =	sadd.s32 $0x187A0, s23;
	[sflag:s21] =	ssyncadd.s32 $0xFFFFE000  }
0xff: {  	[spmem:s2] =	stream.indirect.scatter.add.f32 [tilespmem:s22], [sflag:s20], $0x40, s17, s12, $0xb8;
	[tilespmem:$0x1E7B0] =	vst v63  }
0x100: {  	s18 =	sadd.s32 $0x80, s18;
	s17 =	sadd.s32 $0x80, s17;
	s20 =	smov.u32 s19  }
0x101: {  	_ =	swait.ge [sflag:s14], $0x2000  }
0x102: {  	[sflag:s14] =	ssyncset.done $0x0  }
0x103: {  	[sflag:s14] =	ssyncadd.s32 $0xFFFFE000  }
0x104: {  	_ =	swait.ge [sflag:s15], $0x2000  }
0x105: {  	[sflag:s15] =	ssyncset.done $0x0  }
0x106: {  	s19 =	simm.s32 $0x0;
	s17 =	rddreg [dreg:$0x11];
	[sflag:s15] =	ssyncadd.s32 $0xFFFFE000  }
0x107: {  	[tilespmem:s7], [sflag:$0x9] =	stream.linear.gather [hbm4b:s17+s19], $0x2780, $0x38;
	[tilespmem:$0x1E7B0] =	vst v63  }
0x108: {  	_ =	swait.ge [sflag:s8], $0x2780  }
0x109: {  	[sflag:s8] =	ssyncset.done $0x0  }
0x10a: {  	s17 =	simm.s32 $0x16020;
	s18 =	rddreg [dreg:$0x12];
	[sflag:s8] =	ssyncadd.s32 $0xFFFFD880  }
0x10b: {  	[tilespmem:s17], [sflag:$0x9] =	stream.linear.gather [hbm4b:s18+s19], $0x2780, $0x38;
	[tilespmem:$0x1E7B0] =	vst v63  }
0x10c: {  	_ =	swait.ge [sflag:s8], $0x2780  }
0x10d: {  	[sflag:s8] =	ssyncset.done $0x0  }
0x10e: {  	s18 =	simm.s32 $0x13920;
	[sflag:s8] =	ssyncadd.s32 $0xFFFFD880  }
0x10f: {  	[tilespmem:s13], [sflag:$0x1] =	stream.indirect.gather [spmem:s1], $0x40, s7, s12, $0xb8;
	[tilespmem:$0x1E7B0] =	vst v63  }
.LBB2_20:
0x110: {  	s21 =	smul.u32 $0xAB, s19;
	_ =	sdelay $0x1  }
0x111: {  	s20 =	sadd.s32 $0xAB, s21  }
0x112: {  	s20 =	sshrl.u32 s20, $0x9  }
0x113: {  	s20 =	sand.u32 $0x7F, s20  }
0x114: {  	s22 =	smul.u32 $0x3, s20  }
0x115: {  	s20 =	sadd.s32 $0x1, s19  }
0x116: {  	s22 =	ssub.s32 s20, s22  }
0x117: {  	p1 =	slt.u32 s19, $0x2;
	s22 =	sand.u32 $0xFF, s22  }
0x118: {  	s23 =	sadd.s32 @!p1 $0x4, s22  }
0x119: {  	p2 =	seq.s32 @!p1 s19, $0x4E;
	_ =	swait.ge @!p1 [sflag:s23], $0x2000  }
0x11a: {  	p2 =	por p1, !p2;
	s21 =	sshrl.u32 s21, $0x9;
	[sflag:s23] =	ssyncset.done @!p1 $0x0  }
0x11b: {  	s21 =	sand.u32 $0x7F, s21;
	[sflag:s23] =	ssyncadd.s32 @!p1 $0xFFFFE000;
	s23 =	sshll.u32 @p2 s22, $0xD  }
0x11c: {  	s21 =	smul.u32 $0x3, s21;
	s22 =	sadd.s32 @p2 $0x1, s22;
	s23 =	sadd.s32 @p2 $0x187A0, s23  }
0x11d: {  	[tilespmem:s23], [sflag:s22] =	stream.indirect.gather @p2 [spmem:s1], $0x40, s18, s12, $0xb8;
	[tilespmem:$0x1E7B0] =	vst v63  }
0x11e: {  	s22 =	ssub.s32 s19, s21  }
0x11f: {  	s19 =	sand.u32 $0xFF, s22  }
0x120: {  	p1 =	sne.s32 s20, $0x4F;
	s21 =	sadd.s32 $0x1, s19  }
.Ltmp9:
0x121: {  	_ =	swait.ge [sflag:s21], $0x2000;
	(pc) =	sbr.rel @p1 .LBB2_20-.Ltmp9, $4  }
0x122: {  	s23 =	sshll.u32 s19, $0xD;
	[sflag:s21] =	ssyncset.done $0x0  }
0x123: {  	s19 =	sadd.s32 $0x4, s19;
	s22 =	sadd.s32 $0x187A0, s23;
	[sflag:s21] =	ssyncadd.s32 $0xFFFFE000  }
0x124: {  	[spmem:s2] =	stream.indirect.scatter.add.f32 [tilespmem:s22], [sflag:s19], $0x40, s17, s12, $0xb8;
	[tilespmem:$0x1E7B0] =	vst v63  }
0x125: {  	s18 =	sadd.s32 $0x80, s18;
	s17 =	sadd.s32 $0x80, s17;
	s19 =	smov.u32 s20  }
0x126: {  	_ =	swait.ge [sflag:s14], $0x2000  }
0x127: {  	[sflag:s14] =	ssyncset.done $0x0  }
0x128: {  	[sflag:s14] =	ssyncadd.s32 $0xFFFFE000  }
0x129: {  	_ =	swait.ge [sflag:s15], $0x2000  }
0x12a: {  	[sflag:s15] =	ssyncset.done $0x0  }
0x12b: {  	[sflag:s15] =	ssyncadd.s32 $0xFFFFE000  }
0x12c: {  	[bflag:$0x0] =	sbarrier.arrive $0xFFFF  }
0x12d: {  	s17 =	sor.u32 $0x1C09, s28;
	s18 =	sshrl.u32 s11, $0x3;
	s19 =	rddreg [dreg:$0x13]  }
0x12e: {  	[hbm:s19@s5], [sflag:s17] =	dma.strided [spmem:s18@s4], $0x1380, s0, $0x8   }
0x12f: {  	s20 =	simm.s32 @!p0 $0x10;
	s16 =	sadd.s32 $0x1, s16;
	_ =	swait.ge [sflag:s8], $0x1380  }
0x130: {  	s21 =	simm.s32 @!p0 $0x8;
	p1 =	sne.s32 s16, s26;
	[sflag:s8] =	ssyncset.done $0x0  }
0x131: {  	s18 =	sshrl.u32 @!p0 s31, $0x3;
	s19 =	simm.s32 @!p0 $0x1;
	[sflag:s8] =	ssyncadd.s32 $0xFFFFEC80  }
0x132: {  	[hbm:s25@s20], [sflag:s17] =	dma.strided @!p0 [spmem:s18@s21], $0x80, s19, $0x8   }
.Ltmp10:
0x133: {  	_ = 	snop;
	(pc) =	sbr.rel @p1 .LBB2_1-.Ltmp10, $4  }
0x134: {  	s17 =	simm.s32 @!p0 $0x9  }
0x135: {  	_ =	swait.ge @!p0 [sflag:s17], $0x80  }
0x136: {  	[sflag:s17] =	ssyncset.done @!p0 $0x0  }
0x137: {  	[sflag:s17] =	ssyncadd.s32 @!p0 $0xFFFFFF80  }
0x138: {  	_ =	sfence.sel $0x180000  }
0x139: {  	[bflag:$0x0] =	sbarrier.arrive $0xFFFF  }
0x13a: {  	_ =	strace $0x90000047  }
0x13b: {  	s0 =	stileid.u32;
	[bflag:$0x2] =	sbarrier.arrive $0xFFFF  }
0x13c: {  	p0 =	sne.s32 s0, $0x0;
	s0 =	rddreg [dreg:$0x5]  }
0x13d: {  	s0 =	sadd.s32 @!p0 $0x100000, s0  }
0x13e: {  	[sflag:s0] =	ssyncadd.tile.s32 @!p0 $0x1;
	_ =	shalt  }
.Lfunc_end2:
_tile_overlayer_lowered:
.L_overlay_start_2:
0x13f: {  	(tag) =	ssettag $0x2  }
0x140: {  	s0 =	rddreg [dreg:$0x0];
	s2 =	stileid.u32  }
0x141: {  	s1 =	rddreg [dreg:$0x1];
	p0 =	sne.s32 s2, $0x0  }
0x142: {  	s3 =	rddreg [dreg:$0x2];
	[bflag:$0x3] =	sbarrier.arrive $0xFFFF;
	s2 =	simm.s32 @!p0 $0x1C09  }
0x143: {  	[timem:s3], [sflag:s2] =	dma.local @!p0 [hbm:s0], s1  }
0x144: {  	s0 =	simm.s32 @!p0 $0x9  }
0x145: {  	_ =	swait.ge @!p0 [sflag:s0], s1  }
0x146: {  	s1 =	ssub.s32 @!p0 $0x0, s1;
	[sflag:s0] =	ssyncset.done @!p0 $0x0  }
0x147: {  	[sflag:s0] =	ssyncadd.s32 @!p0 s1  }
0x148: {  	[bflag:$0x3] =	sbarrier.arrive $0xFFFF  }
0x149: {  	_ =	shalt  }

</sc_bundles>
